<compile_context>
chip_gen: v7x
topology: tpu7x:2x2x1
jax: 0.10.2.dev20260603
libtpu: 0.0.44.dev20260713+nightly
codegen_flags: <defaults>
</compile_context>

<pallas_src>
import jax
import jax.numpy as jnp
from jax import lax
from jax.experimental import pallas as pl
from jax.experimental.pallas import tpu as pltpu
from jax.experimental.pallas import tpu_sc as plsc

N_ENT = 10000
N_REL = 200
DIM = 128
N_EDGE = 320000
BATCH = 1024

NC = 2
NS = 16
HALF = N_ENT // NC
ACC_ROWS = HALF + 8

EC = 128
BLK = 16
NBLK = 10
EPT = NBLK * BLK * EC
E_PAD = EPT * NS
EROWS = E_PAD // EC
ZR = 1000


def _edge_pass_body(src_hbm, dst_hbm, et_hbm, x_hbm, r_hbm, z_hbm, z1_hbm,
                    ones_hbm,
                    out_hbm, deg_hbm,
                    src2, et2, dst2, xb0, rb0, onesv, acc, dacc, rtab,
                    g0, g1):
    cid = lax.axis_index("c")
    sid = lax.axis_index("s")

    @pl.when(sid < 5)
    def _zero():
        sl = pl.ds(sid * ZR, ZR)
        pltpu.sync_copy(z_hbm, acc.at[sl])

    @pl.when(sid == 5)
    def _zero_deg():
        pltpu.sync_copy(z1_hbm, dacc)

    @pl.when(sid == 6)
    def _stage_rtab():
        pltpu.sync_copy(r_hbm, rtab)

    pltpu.sync_copy(ones_hbm, onesv)

    plsc.subcore_barrier()

    row0 = sid * (NBLK * BLK)

    def _block(k, carry):
        rbase = row0 + k * BLK
        pltpu.sync_copy(src_hbm.at[pl.ds(rbase, BLK)], src2)
        pltpu.sync_copy(et_hbm.at[pl.ds(rbase, BLK)], et2)
        pltpu.sync_copy(dst_hbm.at[cid, pl.ds(rbase, BLK)], dst2)

        def _chunk(j, c1):
            cpx = pltpu.async_copy(x_hbm.at[src2.at[j]], xb0, g0)
            cpr = pltpu.async_copy(rtab.at[et2.at[j]], rb0, g1)
            cpx.wait()
            cpr.wait()

            def _mul(e, c2):
                for dd in range(8):
                    sl = pl.ds(dd * 16, 16)
                    xb0[e, sl] = xb0[e, sl] * rb0[e, sl]
                return c2
            lax.fori_loop(0, EC, _mul, 0)

            pltpu.sync_copy(xb0, acc.at[dst2.at[j]], add=True)
            pltpu.sync_copy(onesv, dacc.at[dst2.at[j]], add=True)
            return c1
        lax.fori_loop(0, BLK, _chunk, 0)
        return carry

    lax.fori_loop(0, NBLK, _block, 0)

    plsc.subcore_barrier()

    @pl.when(sid < 5)
    def _copyout():
        sl = pl.ds(sid * ZR, ZR)
        pltpu.sync_copy(acc.at[sl], out_hbm.at[cid, sl])

    @pl.when(sid == 5)
    def _copyout_deg():
        pltpu.sync_copy(dacc, deg_hbm.at[cid])


def _make_edge_pass():
    mesh = plsc.VectorSubcoreMesh(core_axis_name="c", subcore_axis_name="s")
    out_type = (jax.ShapeDtypeStruct((NC, HALF, DIM), jnp.float32),
                jax.ShapeDtypeStruct((NC, ACC_ROWS), jnp.float32))
    scratch = [
        pltpu.VMEM((BLK, EC), jnp.int32),
        pltpu.VMEM((BLK, EC), jnp.int32),
        pltpu.VMEM((BLK, EC), jnp.int32),
        pltpu.VMEM((EC, DIM), jnp.float32),
        pltpu.VMEM((EC, DIM), jnp.float32),
        pltpu.VMEM((EC,), jnp.float32),
        pltpu.VMEM_SHARED((ACC_ROWS, DIM), jnp.float32),
        pltpu.VMEM_SHARED((ACC_ROWS,), jnp.float32),
        pltpu.VMEM_SHARED((N_REL, DIM), jnp.float32),
        pltpu.SemaphoreType.DMA,
        pltpu.SemaphoreType.DMA,
    ]
    return pl.kernel(
        _edge_pass_body,
        out_type=out_type,
        mesh=mesh,
        scratch_types=scratch,
    )


def _dense_body(parts_ref, deg_ref, x_ref, wn_ref, wl_ref, b_ref, o_ref):
    s = parts_ref[0]
    deg = jnp.maximum(deg_ref[0], 1.0)
    t = jnp.dot(s / deg, wn_ref[...], preferred_element_type=jnp.float32)
    t += jnp.dot(x_ref[...], wl_ref[...], preferred_element_type=jnp.float32)
    o_ref[...] = jnp.tanh(t + b_ref[...])


def _dense(parts, degp, x, wn, wl, b):
    blk = 1000
    nb = HALF // blk
    grid = (N_ENT // blk,)
    return pl.pallas_call(
        _dense_body,
        grid=grid,
        in_specs=[
            pl.BlockSpec((1, blk, DIM), lambda i: (i // nb, i % nb, 0)),
            pl.BlockSpec((1, blk, 1), lambda i: (i // nb, i % nb, 0)),
            pl.BlockSpec((blk, DIM), lambda i: (i, 0)),
            pl.BlockSpec((DIM, DIM), lambda i: (0, 0)),
            pl.BlockSpec((DIM, DIM), lambda i: (0, 0)),
            pl.BlockSpec((1, DIM), lambda i: (0, 0)),
        ],
        out_specs=pl.BlockSpec((blk, DIM), lambda i: (i, 0)),
        out_shape=jax.ShapeDtypeStruct((N_ENT, DIM), jnp.float32),
    )(parts, degp, x, wn, wl, b)


def _rel_body(r_ref, w1_ref, w2_ref, r1_ref, r2_ref):
    r1 = jnp.dot(r_ref[...], w1_ref[...], preferred_element_type=jnp.float32)
    r1_ref[...] = r1
    r2_ref[...] = jnp.dot(r1, w2_ref[...], preferred_element_type=jnp.float32)


def _rel_chain(r0, w1, w2):
    return pl.pallas_call(
        _rel_body,
        out_shape=(jax.ShapeDtypeStruct((N_REL, DIM), jnp.float32),
                   jax.ShapeDtypeStruct((N_REL, DIM), jnp.float32)),
    )(r0, w1, w2)


def _gather_body(x_hbm, r_hbm, subj_hbm, rel_hbm, sub_out, rel_out,
                 sidx, ridx, srows, rrows, sem):
    cid = lax.axis_index("c")
    sid = lax.axis_index("s")
    wid = sid * NC + cid
    bpw = BATCH // (NC * NS)
    base = wid * bpw
    pltpu.sync_copy(subj_hbm.at[pl.ds(base, bpw)], sidx)
    pltpu.sync_copy(rel_hbm.at[pl.ds(base, bpw)], ridx)
    cp1 = pltpu.async_copy(x_hbm.at[sidx], srows, sem)
    cp1.wait()
    pltpu.sync_copy(srows, sub_out.at[pl.ds(base, bpw)])
    cp2 = pltpu.async_copy(r_hbm.at[ridx], rrows, sem)
    cp2.wait()
    pltpu.sync_copy(rrows, rel_out.at[pl.ds(base, bpw)])


def _make_gather():
    bpw = BATCH // (NC * NS)
    mesh = plsc.VectorSubcoreMesh(core_axis_name="c", subcore_axis_name="s")
    return pl.kernel(
        _gather_body,
        out_type=(jax.ShapeDtypeStruct((BATCH, DIM), jnp.float32),
                  jax.ShapeDtypeStruct((BATCH, DIM), jnp.float32)),
        mesh=mesh,
        scratch_types=[
            pltpu.VMEM((bpw,), jnp.int32),
            pltpu.VMEM((bpw,), jnp.int32),
            pltpu.VMEM((bpw, DIM), jnp.float32),
            pltpu.VMEM((bpw, DIM), jnp.float32),
            pltpu.SemaphoreType.DMA,
        ],
    )


_edge_pass = _make_edge_pass()
_final_gather = _make_gather()


def kernel(edge_index, edge_type, subj, rel, init_embed, init_rel,
           W1_neigh, W1_loop, W1_rel, b1, W2_neigh, W2_loop, W2_rel, b2):
    src = edge_index[0].astype(jnp.int32)
    dst = edge_index[1].astype(jnp.int32)
    et = edge_type.astype(jnp.int32)
    npad = E_PAD - N_EDGE
    src = jnp.concatenate([src, jnp.zeros((npad,), jnp.int32)])
    dst = jnp.concatenate([dst, jnp.full((npad,), N_ENT, jnp.int32)])
    et = jnp.concatenate([et, jnp.zeros((npad,), jnp.int32)])
    halves = jnp.arange(NC, dtype=jnp.int32)[:, None] * HALF
    d_loc = dst[None, :] - halves
    dst_loc = jnp.where((d_loc >= 0) & (d_loc < HALF), d_loc, HALF)
    src = src.reshape(EROWS, EC)
    et = et.reshape(EROWS, EC)
    dst_loc = dst_loc.reshape(NC, EROWS, EC)
    zeros = jnp.zeros((ZR, DIM), jnp.float32)
    zeros1 = jnp.zeros((ACC_ROWS,), jnp.float32)
    ones1 = jnp.ones((EC,), jnp.float32)

    parts1, degp = _edge_pass(src, dst_loc, et, init_embed, init_rel,
                              zeros, zeros1, ones1)
    degp = degp[:, :HALF, None]
    r1, r2 = _rel_chain(init_rel, W1_rel, W2_rel)
    x1 = _dense(parts1, degp, init_embed, W1_neigh, W1_loop,
                b1.reshape(1, DIM))
    parts2, _ = _edge_pass(src, dst_loc, et, x1, r1, zeros, zeros1, ones1)
    x2 = _dense(parts2, degp, x1, W2_neigh, W2_loop, b2.reshape(1, DIM))
    sub_emb, rel_emb = _final_gather(x2, r2, subj.astype(jnp.int32),
                                     rel.astype(jnp.int32))
    return (sub_emb, rel_emb, x2)

# --- scband reference (transcript-rebuilt; emitter-appended) ---
"""Pipeline reference for scband-comp-gcn-68831145886399 (READ-ONLY COPY).

The authoritative reference and input builder live on the scoring server;
editing this copy changes nothing except your own understanding.
"""

import jax, jax.numpy as jnp
import numpy as np

NUM_ENT = 10000
NUM_REL2 = 200
DIM = 128
NUM_EDGES = 320000
BATCH = 1024

def _xavier(key, shape, gain=1.4142135623730951):
    fan_in, fan_out = shape[0], shape[1]
    std = gain * (2.0 / (fan_in + fan_out)) ** 0.5
    return std * jax.random.normal(key, shape, dtype=jnp.float32)

def setup_inputs(seed: int = 0):
    key = jax.random.key(seed)
    ks = jax.random.split(key, 12)
    inp = {}
    inp["edge_index"] = jax.random.randint(ks[0], (2, NUM_EDGES), 0, NUM_ENT)
    inp["edge_type"] = jax.random.randint(ks[1], (NUM_EDGES,), 0, NUM_REL2)
    inp["subj"] = jax.random.randint(ks[2], (BATCH,), 0, NUM_ENT)
    inp["rel"] = jax.random.randint(ks[3], (BATCH,), 0, NUM_REL2)
    inp["init_embed"] = _xavier(ks[4], (NUM_ENT, DIM))
    inp["init_rel"] = _xavier(ks[5], (NUM_REL2, DIM))
    inp["W1_neigh"] = _xavier(ks[6], (DIM, DIM))
    inp["W1_loop"] = _xavier(ks[7], (DIM, DIM))
    inp["W1_rel"] = _xavier(ks[8], (DIM, DIM))
    inp["b1"] = jnp.zeros((DIM,), dtype=jnp.float32)
    inp["W2_neigh"] = _xavier(ks[9], (DIM, DIM))
    inp["W2_loop"] = _xavier(ks[10], (DIM, DIM))
    inp["W2_rel"] = _xavier(ks[11], (DIM, DIM))
    inp["b2"] = jnp.zeros((DIM,), dtype=jnp.float32)
    return inp

def _comp(h, r):
    # opn == 'mult': composition of entity and relation embeddings
    return h * r

def _conv(x, r, src, dst, etype, W_neigh, W_loop, W_rel, b):
    # message: compose source-entity embedding with relation embedding per edge
    msg = _comp(jnp.take(x, src, axis=0), jnp.take(r, etype, axis=0))
    msg = msg @ W_neigh
    # aggregate messages at destination nodes (scatter-add), degree-normalized
    agg = jax.ops.segment_sum(msg, dst, num_segments=x.shape[0])
    deg = jax.ops.segment_sum(jnp.ones((src.shape[0], 1), dtype=x.dtype), dst, num_segments=x.shape[0])
    agg = agg / jnp.clip(deg, 1.0, None)
    # self-loop transform + bias, tanh activation (self.act = torch.tanh)
    h = jnp.tanh(agg + x @ W_loop + b)
    # relation embeddings get their own linear transform per layer
    r_new = r @ W_rel
    return h, r_new

def reference(edge_index, edge_type, subj, rel, init_embed, init_rel, W1_neigh, W1_loop, W1_rel, b1, W2_neigh, W2_loop, W2_rel, b2):
    src = edge_index[0]
    dst = edge_index[1]
    x, r = _conv(init_embed, init_rel, src, dst, edge_type, W1_neigh, W1_loop, W1_rel, b1)
    x, r = _conv(x, r, src, dst, edge_type, W2_neigh, W2_loop, W2_rel, b2)
    sub_emb = jnp.take(x, subj, axis=0)
    rel_emb = jnp.take(r, rel, axis=0)
    return (sub_emb, rel_emb, x)

if __name__ == "__main__":
    import jax
    _d = setup_inputs()
    print(jax.jit(kernel)(*tuple(_d.values())))

</pallas_src>

<mosaic_0001>
#map = affine_map<(d0, d1) -> (0, 0)>
#map1 = affine_map<(d0, d1) -> (0)>
module attributes {stable_mosaic.version = 14 : i64} {
  func.func @_gather_body(%arg0: i32, %arg1: i32, %arg2: memref<10000x128xf32, #tpu.memory_space<hbm>>, %arg3: memref<200x128xf32, #tpu.memory_space<hbm>>, %arg4: memref<1024xi32, #tpu.memory_space<hbm>>, %arg5: memref<1024xi32, #tpu.memory_space<hbm>>, %arg6: memref<1024x128xf32, #tpu.memory_space<hbm>>, %arg7: memref<1024x128xf32, #tpu.memory_space<hbm>>, %arg8: memref<32xi32, #tpu.memory_space<vmem>>, %arg9: memref<32xi32, #tpu.memory_space<vmem>>, %arg10: memref<32x128xf32, #tpu.memory_space<vmem>>, %arg11: memref<32x128xf32, #tpu.memory_space<vmem>>, %arg12: memref<!tpu.dma_semaphore, #tpu.memory_space<semaphore_mem>>) attributes {dimension_semantics = [#tpu.dimension_semantics<core_parallel>, #tpu.dimension_semantics<subcore_parallel>], iteration_bounds = array<i64: 2, 16>, scalar_prefetch = 0 : i64, scratch_operands = 5 : i64, tpu.core_type = #tpu.core_type<sc_vector_subcore>, window_params = [{transform_indices = #map}, {transform_indices = #map}, {transform_indices = #map1}, {transform_indices = #map1}, {transform_indices = #map}, {transform_indices = #map}]} {
    %mul3A = arith.constant 2 : i32
    %mul3A_0 = arith.muli %arg1, %mul3A : i32
    %add3A = arith.addi %mul3A_0, %arg0 : i32
    %mul3A_1 = arith.constant 32 : i32
    %mul3A_2 = arith.muli %add3A, %mul3A_1 : i32
    "tpu.region"() ({
      %run_scoped3A = tpu.sem_alloc : memref<!tpu.dma_semaphore, #tpu.memory_space<semaphore_mem>>
      %dma_start3A_13 = tpu.memref_slice %arg4[%mul3A_2] : memref<1024xi32, #tpu.memory_space<hbm>> -> memref<32xi32, #tpu.memory_space<hbm>>
      %dma_start3A_14 = tpu.memref_slice %arg4[%mul3A_2] : memref<1024xi32, #tpu.memory_space<hbm>> -> memref<32xi32, #tpu.memory_space<hbm>>
      tpu.enqueue_dma source(%dma_start3A_14 : memref<32xi32, #tpu.memory_space<hbm>>) target(%arg8 : memref<32xi32, #tpu.memory_space<vmem>>) target_semaphore(%run_scoped3A : memref<!tpu.dma_semaphore, #tpu.memory_space<semaphore_mem>>)
      %dma_wait3A_15 = tpu.memref_slice %arg4[%mul3A_2] : memref<1024xi32, #tpu.memory_space<hbm>> -> memref<32xi32, #tpu.memory_space<hbm>>
      %dma_wait3A_16 = tpu.memref_slice %arg4[%mul3A_2] : memref<1024xi32, #tpu.memory_space<hbm>> -> memref<32xi32, #tpu.memory_space<hbm>>
      tpu.wait_dma2 semaphore(%run_scoped3A : memref<!tpu.dma_semaphore, #tpu.memory_space<semaphore_mem>>) src(%dma_wait3A_16 : memref<32xi32, #tpu.memory_space<hbm>>) dst(%arg8 : memref<32xi32, #tpu.memory_space<vmem>>)
      tpu.yield
    }) : () -> ()
    "tpu.region"() ({
      %run_scoped3A = tpu.sem_alloc : memref<!tpu.dma_semaphore, #tpu.memory_space<semaphore_mem>>
      %dma_start3A_13 = tpu.memref_slice %arg5[%mul3A_2] : memref<1024xi32, #tpu.memory_space<hbm>> -> memref<32xi32, #tpu.memory_space<hbm>>
      %dma_start3A_14 = tpu.memref_slice %arg5[%mul3A_2] : memref<1024xi32, #tpu.memory_space<hbm>> -> memref<32xi32, #tpu.memory_space<hbm>>
      tpu.enqueue_dma source(%dma_start3A_14 : memref<32xi32, #tpu.memory_space<hbm>>) target(%arg9 : memref<32xi32, #tpu.memory_space<vmem>>) target_semaphore(%run_scoped3A : memref<!tpu.dma_semaphore, #tpu.memory_space<semaphore_mem>>)
      %dma_wait3A_15 = tpu.memref_slice %arg5[%mul3A_2] : memref<1024xi32, #tpu.memory_space<hbm>> -> memref<32xi32, #tpu.memory_space<hbm>>
      %dma_wait3A_16 = tpu.memref_slice %arg5[%mul3A_2] : memref<1024xi32, #tpu.memory_space<hbm>> -> memref<32xi32, #tpu.memory_space<hbm>>
      tpu.wait_dma2 semaphore(%run_scoped3A : memref<!tpu.dma_semaphore, #tpu.memory_space<semaphore_mem>>) src(%dma_wait3A_16 : memref<32xi32, #tpu.memory_space<hbm>>) dst(%arg9 : memref<32xi32, #tpu.memory_space<vmem>>)
      tpu.yield
    }) : () -> ()
    %dma_start3A = arith.constant 0 : i32
    %dma_start3A_3 = arith.constant 0 : i32
    %dma_start3A_4 = tpu.memref_slice %arg2[%dma_start3A, %dma_start3A_3] : memref<10000x128xf32, #tpu.memory_space<hbm>> -> memref<10000x128xf32, #tpu.memory_space<hbm>>
    tpu.enqueue_indirect_dma source(%dma_start3A_4 : memref<10000x128xf32, #tpu.memory_space<hbm>>) target(%arg10 : memref<32x128xf32, #tpu.memory_space<vmem>>) offsets(%arg8 : memref<32xi32, #tpu.memory_space<vmem>>) semaphore(%arg12 : memref<!tpu.dma_semaphore, #tpu.memory_space<semaphore_mem>>)
    %dma_wait3A = arith.constant 0 : i32
    %dma_wait3A_5 = arith.constant 0 : i32
    %dma_wait3A_6 = tpu.memref_slice %arg2[%dma_wait3A, %dma_wait3A_5] : memref<10000x128xf32, #tpu.memory_space<hbm>> -> memref<10000x128xf32, #tpu.memory_space<hbm>>
    tpu.wait_indirect_dma semaphore(%arg12 : memref<!tpu.dma_semaphore, #tpu.memory_space<semaphore_mem>>) src(%dma_wait3A_6 : memref<10000x128xf32, #tpu.memory_space<hbm>>) dst(%arg10 : memref<32x128xf32, #tpu.memory_space<vmem>>)
    "tpu.region"() ({
      %run_scoped3A = tpu.sem_alloc : memref<!tpu.dma_semaphore, #tpu.memory_space<semaphore_mem>>
      %dma_start3A_13 = arith.constant 0 : i32
      %dma_start3A_14 = tpu.memref_slice %arg6[%mul3A_2, %dma_start3A_13] : memref<1024x128xf32, #tpu.memory_space<hbm>> -> memref<32x128xf32, #tpu.memory_space<hbm>>
      %dma_start3A_15 = arith.constant 0 : i32
      %dma_start3A_16 = tpu.memref_slice %arg6[%mul3A_2, %dma_start3A_15] : memref<1024x128xf32, #tpu.memory_space<hbm>> -> memref<32x128xf32, #tpu.memory_space<hbm>>
      tpu.enqueue_dma source(%arg10 : memref<32x128xf32, #tpu.memory_space<vmem>>) target(%dma_start3A_16 : memref<32x128xf32, #tpu.memory_space<hbm>>) target_semaphore(%run_scoped3A : memref<!tpu.dma_semaphore, #tpu.memory_space<semaphore_mem>>)
      %dma_wait3A_17 = arith.constant 0 : i32
      %dma_wait3A_18 = tpu.memref_slice %arg6[%mul3A_2, %dma_wait3A_17] : memref<1024x128xf32, #tpu.memory_space<hbm>> -> memref<32x128xf32, #tpu.memory_space<hbm>>
      %dma_wait3A_19 = arith.constant 0 : i32
      %dma_wait3A_20 = tpu.memref_slice %arg6[%mul3A_2, %dma_wait3A_19] : memref<1024x128xf32, #tpu.memory_space<hbm>> -> memref<32x128xf32, #tpu.memory_space<hbm>>
      tpu.wait_dma2 semaphore(%run_scoped3A : memref<!tpu.dma_semaphore, #tpu.memory_space<semaphore_mem>>) src(%arg10 : memref<32x128xf32, #tpu.memory_space<vmem>>) dst(%dma_wait3A_20 : memref<32x128xf32, #tpu.memory_space<hbm>>)
      tpu.yield
    }) : () -> ()
    %dma_start3A_7 = arith.constant 0 : i32
    %dma_start3A_8 = arith.constant 0 : i32
    %dma_start3A_9 = tpu.memref_slice %arg3[%dma_start3A_7, %dma_start3A_8] : memref<200x128xf32, #tpu.memory_space<hbm>> -> memref<200x128xf32, #tpu.memory_space<hbm>>
    tpu.enqueue_indirect_dma source(%dma_start3A_9 : memref<200x128xf32, #tpu.memory_space<hbm>>) target(%arg11 : memref<32x128xf32, #tpu.memory_space<vmem>>) offsets(%arg9 : memref<32xi32, #tpu.memory_space<vmem>>) semaphore(%arg12 : memref<!tpu.dma_semaphore, #tpu.memory_space<semaphore_mem>>)
    %dma_wait3A_10 = arith.constant 0 : i32
    %dma_wait3A_11 = arith.constant 0 : i32
    %dma_wait3A_12 = tpu.memref_slice %arg3[%dma_wait3A_10, %dma_wait3A_11] : memref<200x128xf32, #tpu.memory_space<hbm>> -> memref<200x128xf32, #tpu.memory_space<hbm>>
    tpu.wait_indirect_dma semaphore(%arg12 : memref<!tpu.dma_semaphore, #tpu.memory_space<semaphore_mem>>) src(%dma_wait3A_12 : memref<200x128xf32, #tpu.memory_space<hbm>>) dst(%arg11 : memref<32x128xf32, #tpu.memory_space<vmem>>)
    "tpu.region"() ({
      %run_scoped3A = tpu.sem_alloc : memref<!tpu.dma_semaphore, #tpu.memory_space<semaphore_mem>>
      %dma_start3A_13 = arith.constant 0 : i32
      %dma_start3A_14 = tpu.memref_slice %arg7[%mul3A_2, %dma_start3A_13] : memref<1024x128xf32, #tpu.memory_space<hbm>> -> memref<32x128xf32, #tpu.memory_space<hbm>>
      %dma_start3A_15 = arith.constant 0 : i32
      %dma_start3A_16 = tpu.memref_slice %arg7[%mul3A_2, %dma_start3A_15] : memref<1024x128xf32, #tpu.memory_space<hbm>> -> memref<32x128xf32, #tpu.memory_space<hbm>>
      tpu.enqueue_dma source(%arg11 : memref<32x128xf32, #tpu.memory_space<vmem>>) target(%dma_start3A_16 : memref<32x128xf32, #tpu.memory_space<hbm>>) target_semaphore(%run_scoped3A : memref<!tpu.dma_semaphore, #tpu.memory_space<semaphore_mem>>)
      %dma_wait3A_17 = arith.constant 0 : i32
      %dma_wait3A_18 = tpu.memref_slice %arg7[%mul3A_2, %dma_wait3A_17] : memref<1024x128xf32, #tpu.memory_space<hbm>> -> memref<32x128xf32, #tpu.memory_space<hbm>>
      %dma_wait3A_19 = arith.constant 0 : i32
      %dma_wait3A_20 = tpu.memref_slice %arg7[%mul3A_2, %dma_wait3A_19] : memref<1024x128xf32, #tpu.memory_space<hbm>> -> memref<32x128xf32, #tpu.memory_space<hbm>>
      tpu.wait_dma2 semaphore(%run_scoped3A : memref<!tpu.dma_semaphore, #tpu.memory_space<semaphore_mem>>) src(%arg11 : memref<32x128xf32, #tpu.memory_space<vmem>>) dst(%dma_wait3A_20 : memref<32x128xf32, #tpu.memory_space<hbm>>)
      tpu.yield
    }) : () -> ()
    return
  }
}

#map = affine_map<(d0, d1) -> (0, 0)>
#map1 = affine_map<(d0, d1) -> (0, 0, 0)>
#map2 = affine_map<(d0, d1) -> (0)>
module attributes {stable_mosaic.version = 14 : i64} {
  func.func @_edge_pass_body(%arg0: i32, %arg1: i32, %arg2: memref<2560x128xi32, #tpu.memory_space<hbm>>, %arg3: memref<2x2560x128xi32, #tpu.memory_space<hbm>>, %arg4: memref<2560x128xi32, #tpu.memory_space<hbm>>, %arg5: memref<10000x128xf32, #tpu.memory_space<hbm>>, %arg6: memref<200x128xf32, #tpu.memory_space<hbm>>, %arg7: memref<1000x128xf32, #tpu.memory_space<hbm>>, %arg8: memref<5008xf32, #tpu.memory_space<hbm>>, %arg9: memref<128xf32, #tpu.memory_space<hbm>>, %arg10: memref<2x5000x128xf32, #tpu.memory_space<hbm>>, %arg11: memref<2x5008xf32, #tpu.memory_space<hbm>>, %arg12: memref<16x128xi32, #tpu.memory_space<vmem>>, %arg13: memref<16x128xi32, #tpu.memory_space<vmem>>, %arg14: memref<16x128xi32, #tpu.memory_space<vmem>>, %arg15: memref<128x128xf32, #tpu.memory_space<vmem>>, %arg16: memref<128x128xf32, #tpu.memory_space<vmem>>, %arg17: memref<128xf32, #tpu.memory_space<vmem>>, %arg18: memref<5008x128xf32, #tpu.memory_space<vmem_shared>>, %arg19: memref<5008xf32, #tpu.memory_space<vmem_shared>>, %arg20: memref<200x128xf32, #tpu.memory_space<vmem_shared>>, %arg21: memref<!tpu.dma_semaphore, #tpu.memory_space<semaphore_mem>>, %arg22: memref<!tpu.dma_semaphore, #tpu.memory_space<semaphore_mem>>) attributes {dimension_semantics = [#tpu.dimension_semantics<core_parallel>, #tpu.dimension_semantics<subcore_parallel>], iteration_bounds = array<i64: 2, 16>, scalar_prefetch = 0 : i64, scratch_operands = 11 : i64, tpu.core_type = #tpu.core_type<sc_vector_subcore>, window_params = [{transform_indices = #map}, {transform_indices = #map1}, {transform_indices = #map}, {transform_indices = #map}, {transform_indices = #map}, {transform_indices = #map}, {transform_indices = #map2}, {transform_indices = #map2}, {transform_indices = #map1}, {transform_indices = #map}]} {
    %lt3A = arith.constant 5 : i32
    %lt3A_0 = arith.cmpi slt, %arg1, %lt3A : i32
    %convert_element_type3A = arith.extui %lt3A_0 : i1 to i32
    %cond3A = arith.constant 0 : i32
    %cond3A_1 = arith.cmpi ne, %convert_element_type3A, %cond3A : i32
    scf.if %cond3A_1 {
      %mul3A_28 = arith.constant 1000 : i32
      %mul3A_29 = arith.muli %arg1, %mul3A_28 : i32
      "tpu.region"() ({
        %run_scoped3A = tpu.sem_alloc : memref<!tpu.dma_semaphore, #tpu.memory_space<semaphore_mem>>
        %dma_start3A = arith.constant 0 : i32
        %dma_start3A_30 = tpu.memref_slice %arg18[%mul3A_29, %dma_start3A] : memref<5008x128xf32, #tpu.memory_space<vmem_shared>> -> memref<1000x128xf32, #tpu.memory_space<vmem_shared>>
        tpu.enqueue_dma source(%arg7 : memref<1000x128xf32, #tpu.memory_space<hbm>>) target(%dma_start3A_30 : memref<1000x128xf32, #tpu.memory_space<vmem_shared>>) target_semaphore(%run_scoped3A : memref<!tpu.dma_semaphore, #tpu.memory_space<semaphore_mem>>)
        %dma_wait3A = arith.constant 0 : i32
        %dma_wait3A_31 = tpu.memref_slice %arg18[%mul3A_29, %dma_wait3A] : memref<5008x128xf32, #tpu.memory_space<vmem_shared>> -> memref<1000x128xf32, #tpu.memory_space<vmem_shared>>
        tpu.wait_dma2 semaphore(%run_scoped3A : memref<!tpu.dma_semaphore, #tpu.memory_space<semaphore_mem>>) src(%arg7 : memref<1000x128xf32, #tpu.memory_space<hbm>>) dst(%dma_wait3A_31 : memref<1000x128xf32, #tpu.memory_space<vmem_shared>>)
        tpu.yield
      }) : () -> ()
    } else {
    }
    %eq3A = arith.constant 5 : i32
    %eq3A_2 = arith.cmpi eq, %arg1, %eq3A : i32
    %convert_element_type3A_3 = arith.extui %eq3A_2 : i1 to i32
    %cond3A_4 = arith.constant 0 : i32
    %cond3A_5 = arith.cmpi ne, %convert_element_type3A_3, %cond3A_4 : i32
    scf.if %cond3A_5 {
      "tpu.region"() ({
        %run_scoped3A = tpu.sem_alloc : memref<!tpu.dma_semaphore, #tpu.memory_space<semaphore_mem>>
        tpu.enqueue_dma source(%arg8 : memref<5008xf32, #tpu.memory_space<hbm>>) target(%arg19 : memref<5008xf32, #tpu.memory_space<vmem_shared>>) target_semaphore(%run_scoped3A : memref<!tpu.dma_semaphore, #tpu.memory_space<semaphore_mem>>)
        tpu.wait_dma2 semaphore(%run_scoped3A : memref<!tpu.dma_semaphore, #tpu.memory_space<semaphore_mem>>) src(%arg8 : memref<5008xf32, #tpu.memory_space<hbm>>) dst(%arg19 : memref<5008xf32, #tpu.memory_space<vmem_shared>>)
        tpu.yield
      }) : () -> ()
    } else {
    }
    %eq3A_6 = arith.constant 6 : i32
    %eq3A_7 = arith.cmpi eq, %arg1, %eq3A_6 : i32
    %convert_element_type3A_8 = arith.extui %eq3A_7 : i1 to i32
    %cond3A_9 = arith.constant 0 : i32
    %cond3A_10 = arith.cmpi ne, %convert_element_type3A_8, %cond3A_9 : i32
    scf.if %cond3A_10 {
      "tpu.region"() ({
        %run_scoped3A = tpu.sem_alloc : memref<!tpu.dma_semaphore, #tpu.memory_space<semaphore_mem>>
        tpu.enqueue_dma source(%arg6 : memref<200x128xf32, #tpu.memory_space<hbm>>) target(%arg20 : memref<200x128xf32, #tpu.memory_space<vmem_shared>>) target_semaphore(%run_scoped3A : memref<!tpu.dma_semaphore, #tpu.memory_space<semaphore_mem>>)
        tpu.wait_dma2 semaphore(%run_scoped3A : memref<!tpu.dma_semaphore, #tpu.memory_space<semaphore_mem>>) src(%arg6 : memref<200x128xf32, #tpu.memory_space<hbm>>) dst(%arg20 : memref<200x128xf32, #tpu.memory_space<vmem_shared>>)
        tpu.yield
      }) : () -> ()
    } else {
    }
    "tpu.region"() ({
      %run_scoped3A = tpu.sem_alloc : memref<!tpu.dma_semaphore, #tpu.memory_space<semaphore_mem>>
      tpu.enqueue_dma source(%arg9 : memref<128xf32, #tpu.memory_space<hbm>>) target(%arg17 : memref<128xf32, #tpu.memory_space<vmem>>) target_semaphore(%run_scoped3A : memref<!tpu.dma_semaphore, #tpu.memory_space<semaphore_mem>>)
      tpu.wait_dma2 semaphore(%run_scoped3A : memref<!tpu.dma_semaphore, #tpu.memory_space<semaphore_mem>>) src(%arg9 : memref<128xf32, #tpu.memory_space<hbm>>) dst(%arg17 : memref<128xf32, #tpu.memory_space<vmem>>)
      tpu.yield
    }) : () -> ()
    %barrier3A = arith.constant 0 : index
    tpu.barrier barrier_id(%barrier3A)
    %mul3A = arith.constant 160 : i32
    %mul3A_11 = arith.muli %arg1, %mul3A : i32
    %scan3A = arith.constant 0 : i32
    %scan3A_12 = arith.constant 0 : i32
    %scan3A_13 = arith.constant 10 : i32
    %scan3A_14 = arith.addi %scan3A_12, %scan3A_13 : i32
    %scan3A_15 = arith.constant 1 : i32
    scf.for %scan3A_28 = %scan3A_12 to %scan3A_14 step %scan3A_15  : i32 {
      %mul3A_29 = arith.constant 16 : i32
      %mul3A_30 = arith.muli %scan3A_28, %mul3A_29 : i32
      %add3A = arith.addi %mul3A_11, %mul3A_30 : i32
      "tpu.region"() ({
        %run_scoped3A = tpu.sem_alloc : memref<!tpu.dma_semaphore, #tpu.memory_space<semaphore_mem>>
        %dma_start3A = arith.constant 0 : i32
        %dma_start3A_37 = tpu.memref_slice %arg2[%add3A, %dma_start3A] : memref<2560x128xi32, #tpu.memory_space<hbm>> -> memref<16x128xi32, #tpu.memory_space<hbm>>
        %dma_start3A_38 = arith.constant 0 : i32
        %dma_start3A_39 = tpu.memref_slice %arg2[%add3A, %dma_start3A_38] : memref<2560x128xi32, #tpu.memory_space<hbm>> -> memref<16x128xi32, #tpu.memory_space<hbm>>
        tpu.enqueue_dma source(%dma_start3A_39 : memref<16x128xi32, #tpu.memory_space<hbm>>) target(%arg12 : memref<16x128xi32, #tpu.memory_space<vmem>>) target_semaphore(%run_scoped3A : memref<!tpu.dma_semaphore, #tpu.memory_space<semaphore_mem>>)
        %dma_wait3A = arith.constant 0 : i32
        %dma_wait3A_40 = tpu.memref_slice %arg2[%add3A, %dma_wait3A] : memref<2560x128xi32, #tpu.memory_space<hbm>> -> memref<16x128xi32, #tpu.memory_space<hbm>>
        %dma_wait3A_41 = arith.constant 0 : i32
        %dma_wait3A_42 = tpu.memref_slice %arg2[%add3A, %dma_wait3A_41] : memref<2560x128xi32, #tpu.memory_space<hbm>> -> memref<16x128xi32, #tpu.memory_space<hbm>>
        tpu.wait_dma2 semaphore(%run_scoped3A : memref<!tpu.dma_semaphore, #tpu.memory_space<semaphore_mem>>) src(%dma_wait3A_42 : memref<16x128xi32, #tpu.memory_space<hbm>>) dst(%arg12 : memref<16x128xi32, #tpu.memory_space<vmem>>)
        tpu.yield
      }) : () -> ()
      "tpu.region"() ({
        %run_scoped3A = tpu.sem_alloc : memref<!tpu.dma_semaphore, #tpu.memory_space<semaphore_mem>>
        %dma_start3A = arith.constant 0 : i32
        %dma_start3A_37 = tpu.memref_slice %arg4[%add3A, %dma_start3A] : memref<2560x128xi32, #tpu.memory_space<hbm>> -> memref<16x128xi32, #tpu.memory_space<hbm>>
        %dma_start3A_38 = arith.constant 0 : i32
        %dma_start3A_39 = tpu.memref_slice %arg4[%add3A, %dma_start3A_38] : memref<2560x128xi32, #tpu.memory_space<hbm>> -> memref<16x128xi32, #tpu.memory_space<hbm>>
        tpu.enqueue_dma source(%dma_start3A_39 : memref<16x128xi32, #tpu.memory_space<hbm>>) target(%arg13 : memref<16x128xi32, #tpu.memory_space<vmem>>) target_semaphore(%run_scoped3A : memref<!tpu.dma_semaphore, #tpu.memory_space<semaphore_mem>>)
        %dma_wait3A = arith.constant 0 : i32
        %dma_wait3A_40 = tpu.memref_slice %arg4[%add3A, %dma_wait3A] : memref<2560x128xi32, #tpu.memory_space<hbm>> -> memref<16x128xi32, #tpu.memory_space<hbm>>
        %dma_wait3A_41 = arith.constant 0 : i32
        %dma_wait3A_42 = tpu.memref_slice %arg4[%add3A, %dma_wait3A_41] : memref<2560x128xi32, #tpu.memory_space<hbm>> -> memref<16x128xi32, #tpu.memory_space<hbm>>
        tpu.wait_dma2 semaphore(%run_scoped3A : memref<!tpu.dma_semaphore, #tpu.memory_space<semaphore_mem>>) src(%dma_wait3A_42 : memref<16x128xi32, #tpu.memory_space<hbm>>) dst(%arg13 : memref<16x128xi32, #tpu.memory_space<vmem>>)
        tpu.yield
      }) : () -> ()
      "tpu.region"() ({
        %run_scoped3A = tpu.sem_alloc : memref<!tpu.dma_semaphore, #tpu.memory_space<semaphore_mem>>
        %dma_start3A = arith.constant 0 : i32
        %dma_start3A_37 = tpu.memref_slice %arg3[%arg0, %add3A, %dma_start3A] : memref<2x2560x128xi32, #tpu.memory_space<hbm>> -> memref<1x16x128xi32, #tpu.memory_space<hbm>>
        %dma_start3A_38 = tpu.memref_squeeze %dma_start3A_37 : memref<1x16x128xi32, #tpu.memory_space<hbm>> -> memref<16x128xi32, #tpu.memory_space<hbm>>
        %dma_start3A_39 = arith.constant 0 : i32
        %dma_start3A_40 = tpu.memref_slice %arg3[%arg0, %add3A, %dma_start3A_39] : memref<2x2560x128xi32, #tpu.memory_space<hbm>> -> memref<1x16x128xi32, #tpu.memory_space<hbm>>
        %dma_start3A_41 = tpu.memref_squeeze %dma_start3A_40 : memref<1x16x128xi32, #tpu.memory_space<hbm>> -> memref<16x128xi32, #tpu.memory_space<hbm>>
        tpu.enqueue_dma source(%dma_start3A_41 : memref<16x128xi32, #tpu.memory_space<hbm>>) target(%arg14 : memref<16x128xi32, #tpu.memory_space<vmem>>) target_semaphore(%run_scoped3A : memref<!tpu.dma_semaphore, #tpu.memory_space<semaphore_mem>>)
        %dma_wait3A = arith.constant 0 : i32
        %dma_wait3A_42 = tpu.memref_slice %arg3[%arg0, %add3A, %dma_wait3A] : memref<2x2560x128xi32, #tpu.memory_space<hbm>> -> memref<1x16x128xi32, #tpu.memory_space<hbm>>
        %dma_wait3A_43 = tpu.memref_squeeze %dma_wait3A_42 : memref<1x16x128xi32, #tpu.memory_space<hbm>> -> memref<16x128xi32, #tpu.memory_space<hbm>>
        %dma_wait3A_44 = arith.constant 0 : i32
        %dma_wait3A_45 = tpu.memref_slice %arg3[%arg0, %add3A, %dma_wait3A_44] : memref<2x2560x128xi32, #tpu.memory_space<hbm>> -> memref<1x16x128xi32, #tpu.memory_space<hbm>>
        %dma_wait3A_46 = tpu.memref_squeeze %dma_wait3A_45 : memref<1x16x128xi32, #tpu.memory_space<hbm>> -> memref<16x128xi32, #tpu.memory_space<hbm>>
        tpu.wait_dma2 semaphore(%run_scoped3A : memref<!tpu.dma_semaphore, #tpu.memory_space<semaphore_mem>>) src(%dma_wait3A_46 : memref<16x128xi32, #tpu.memory_space<hbm>>) dst(%arg14 : memref<16x128xi32, #tpu.memory_space<vmem>>)
        tpu.yield
      }) : () -> ()
      %scan3A_31 = arith.constant 0 : i32
      %scan3A_32 = arith.constant 0 : i32
      %scan3A_33 = arith.constant 16 : i32
      %scan3A_34 = arith.addi %scan3A_32, %scan3A_33 : i32
      %scan3A_35 = arith.constant 1 : i32
      scf.for %scan3A_37 = %scan3A_32 to %scan3A_34 step %scan3A_35  : i32 {
        %dma_start3A = arith.constant 0 : i32
        %dma_start3A_38 = tpu.memref_slice %arg12[%scan3A_37, %dma_start3A] : memref<16x128xi32, #tpu.memory_space<vmem>> -> memref<1x128xi32, #tpu.memory_space<vmem>>
        %dma_start3A_39 = tpu.memref_squeeze %dma_start3A_38 : memref<1x128xi32, #tpu.memory_space<vmem>> -> memref<128xi32, #tpu.memory_space<vmem>>
        %dma_start3A_40 = arith.constant 0 : i32
        %dma_start3A_41 = arith.constant 0 : i32
        %dma_start3A_42 = tpu.memref_slice %arg5[%dma_start3A_40, %dma_start3A_41] : memref<10000x128xf32, #tpu.memory_space<hbm>> -> memref<10000x128xf32, #tpu.memory_space<hbm>>
        tpu.enqueue_indirect_dma source(%dma_start3A_42 : memref<10000x128xf32, #tpu.memory_space<hbm>>) target(%arg15 : memref<128x128xf32, #tpu.memory_space<vmem>>) offsets(%dma_start3A_39 : memref<128xi32, #tpu.memory_space<vmem>>) semaphore(%arg21 : memref<!tpu.dma_semaphore, #tpu.memory_space<semaphore_mem>>)
        %dma_start3A_43 = arith.constant 0 : i32
        %dma_start3A_44 = tpu.memref_slice %arg13[%scan3A_37, %dma_start3A_43] : memref<16x128xi32, #tpu.memory_space<vmem>> -> memref<1x128xi32, #tpu.memory_space<vmem>>
        %dma_start3A_45 = tpu.memref_squeeze %dma_start3A_44 : memref<1x128xi32, #tpu.memory_space<vmem>> -> memref<128xi32, #tpu.memory_space<vmem>>
        %dma_start3A_46 = arith.constant 0 : i32
        %dma_start3A_47 = arith.constant 0 : i32
        %dma_start3A_48 = tpu.memref_slice %arg20[%dma_start3A_46, %dma_start3A_47] : memref<200x128xf32, #tpu.memory_space<vmem_shared>> -> memref<200x128xf32, #tpu.memory_space<vmem_shared>>
        tpu.enqueue_indirect_dma source(%dma_start3A_48 : memref<200x128xf32, #tpu.memory_space<vmem_shared>>) target(%arg16 : memref<128x128xf32, #tpu.memory_space<vmem>>) offsets(%dma_start3A_45 : memref<128xi32, #tpu.memory_space<vmem>>) semaphore(%arg22 : memref<!tpu.dma_semaphore, #tpu.memory_space<semaphore_mem>>)
        %dma_wait3A = arith.constant 0 : i32
        %dma_wait3A_49 = tpu.memref_slice %arg12[%scan3A_37, %dma_wait3A] : memref<16x128xi32, #tpu.memory_space<vmem>> -> memref<1x128xi32, #tpu.memory_space<vmem>>
        %dma_wait3A_50 = tpu.memref_squeeze %dma_wait3A_49 : memref<1x128xi32, #tpu.memory_space<vmem>> -> memref<128xi32, #tpu.memory_space<vmem>>
        %dma_wait3A_51 = arith.constant 0 : i32
        %dma_wait3A_52 = arith.constant 0 : i32
        %dma_wait3A_53 = tpu.memref_slice %arg5[%dma_wait3A_51, %dma_wait3A_52] : memref<10000x128xf32, #tpu.memory_space<hbm>> -> memref<10000x128xf32, #tpu.memory_space<hbm>>
        tpu.wait_indirect_dma semaphore(%arg21 : memref<!tpu.dma_semaphore, #tpu.memory_space<semaphore_mem>>) src(%dma_wait3A_53 : memref<10000x128xf32, #tpu.memory_space<hbm>>) dst(%arg15 : memref<128x128xf32, #tpu.memory_space<vmem>>)
        %dma_wait3A_54 = arith.constant 0 : i32
        %dma_wait3A_55 = tpu.memref_slice %arg13[%scan3A_37, %dma_wait3A_54] : memref<16x128xi32, #tpu.memory_space<vmem>> -> memref<1x128xi32, #tpu.memory_space<vmem>>
        %dma_wait3A_56 = tpu.memref_squeeze %dma_wait3A_55 : memref<1x128xi32, #tpu.memory_space<vmem>> -> memref<128xi32, #tpu.memory_space<vmem>>
        %dma_wait3A_57 = arith.constant 0 : i32
        %dma_wait3A_58 = arith.constant 0 : i32
        %dma_wait3A_59 = tpu.memref_slice %arg20[%dma_wait3A_57, %dma_wait3A_58] : memref<200x128xf32, #tpu.memory_space<vmem_shared>> -> memref<200x128xf32, #tpu.memory_space<vmem_shared>>
        tpu.wait_indirect_dma semaphore(%arg22 : memref<!tpu.dma_semaphore, #tpu.memory_space<semaphore_mem>>) src(%dma_wait3A_59 : memref<200x128xf32, #tpu.memory_space<vmem_shared>>) dst(%arg16 : memref<128x128xf32, #tpu.memory_space<vmem>>)
        %scan3A_60 = arith.constant 0 : i32
        %scan3A_61 = arith.constant 0 : i32
        %scan3A_62 = arith.constant 128 : i32
        %scan3A_63 = arith.addi %scan3A_61, %scan3A_62 : i32
        %scan3A_64 = arith.constant 1 : i32
        scf.for %scan3A_66 = %scan3A_61 to %scan3A_63 step %scan3A_64  : i32 {
          %get3A = arith.index_cast %scan3A_66 : i32 to index
          %get3A_67 = arith.constant 0 : index
          %get3A_68 = tpu.vector_load %arg15[%get3A, %get3A_67] {strides = array<i32>} : memref<128x128xf32, #tpu.memory_space<vmem>>, vector<1x16xf32>,
          %get3A_69 = vector.shape_cast %get3A_68 : vector<1x16xf32> to vector<16xf32>
          %get3A_70 = arith.index_cast %scan3A_66 : i32 to index
          %get3A_71 = arith.constant 0 : index
          %get3A_72 = tpu.vector_load %arg16[%get3A_70, %get3A_71] {strides = array<i32>} : memref<128x128xf32, #tpu.memory_space<vmem>>, vector<1x16xf32>,
          %get3A_73 = vector.shape_cast %get3A_72 : vector<1x16xf32> to vector<16xf32>
          %mul3A_74 = arith.mulf %get3A_69, %get3A_73 : vector<16xf32>
          %swap3A = arith.index_cast %scan3A_66 : i32 to index
          %swap3A_75 = arith.constant 0 : index
          %swap3A_76 = tpu.vector_load %arg15[%swap3A, %swap3A_75] {strides = array<i32>} : memref<128x128xf32, #tpu.memory_space<vmem>>, vector<1x16xf32>,
          %swap3A_77 = vector.shape_cast %swap3A_76 : vector<1x16xf32> to vector<16xf32>
          %swap3A_78 = vector.shape_cast %mul3A_74 : vector<16xf32> to vector<1x16xf32>
          tpu.vector_store %arg15[%swap3A, %swap3A_75], %swap3A_78 {strides = array<i32>} : memref<128x128xf32, #tpu.memory_space<vmem>>, vector<1x16xf32>,
          %get3A_79 = arith.index_cast %scan3A_66 : i32 to index
          %get3A_80 = arith.constant 16 : index
          %get3A_81 = tpu.vector_load %arg15[%get3A_79, %get3A_80] {strides = array<i32>} : memref<128x128xf32, #tpu.memory_space<vmem>>, vector<1x16xf32>,
          %get3A_82 = vector.shape_cast %get3A_81 : vector<1x16xf32> to vector<16xf32>
          %get3A_83 = arith.index_cast %scan3A_66 : i32 to index
          %get3A_84 = arith.constant 16 : index
          %get3A_85 = tpu.vector_load %arg16[%get3A_83, %get3A_84] {strides = array<i32>} : memref<128x128xf32, #tpu.memory_space<vmem>>, vector<1x16xf32>,
          %get3A_86 = vector.shape_cast %get3A_85 : vector<1x16xf32> to vector<16xf32>
          %mul3A_87 = arith.mulf %get3A_82, %get3A_86 : vector<16xf32>
          %swap3A_88 = arith.index_cast %scan3A_66 : i32 to index
          %swap3A_89 = arith.constant 16 : index
          %swap3A_90 = tpu.vector_load %arg15[%swap3A_88, %swap3A_89] {strides = array<i32>} : memref<128x128xf32, #tpu.memory_space<vmem>>, vector<1x16xf32>,
          %swap3A_91 = vector.shape_cast %swap3A_90 : vector<1x16xf32> to vector<16xf32>
          %swap3A_92 = vector.shape_cast %mul3A_87 : vector<16xf32> to vector<1x16xf32>
          tpu.vector_store %arg15[%swap3A_88, %swap3A_89], %swap3A_92 {strides = array<i32>} : memref<128x128xf32, #tpu.memory_space<vmem>>, vector<1x16xf32>,
          %get3A_93 = arith.index_cast %scan3A_66 : i32 to index
          %get3A_94 = arith.constant 32 : index
          %get3A_95 = tpu.vector_load %arg15[%get3A_93, %get3A_94] {strides = array<i32>} : memref<128x128xf32, #tpu.memory_space<vmem>>, vector<1x16xf32>,
          %get3A_96 = vector.shape_cast %get3A_95 : vector<1x16xf32> to vector<16xf32>
          %get3A_97 = arith.index_cast %scan3A_66 : i32 to index
          %get3A_98 = arith.constant 32 : index
          %get3A_99 = tpu.vector_load %arg16[%get3A_97, %get3A_98] {strides = array<i32>} : memref<128x128xf32, #tpu.memory_space<vmem>>, vector<1x16xf32>,
          %get3A_100 = vector.shape_cast %get3A_99 : vector<1x16xf32> to vector<16xf32>
          %mul3A_101 = arith.mulf %get3A_96, %get3A_100 : vector<16xf32>
          %swap3A_102 = arith.index_cast %scan3A_66 : i32 to index
          %swap3A_103 = arith.constant 32 : index
          %swap3A_104 = tpu.vector_load %arg15[%swap3A_102, %swap3A_103] {strides = array<i32>} : memref<128x128xf32, #tpu.memory_space<vmem>>, vector<1x16xf32>,
          %swap3A_105 = vector.shape_cast %swap3A_104 : vector<1x16xf32> to vector<16xf32>
          %swap3A_106 = vector.shape_cast %mul3A_101 : vector<16xf32> to vector<1x16xf32>
          tpu.vector_store %arg15[%swap3A_102, %swap3A_103], %swap3A_106 {strides = array<i32>} : memref<128x128xf32, #tpu.memory_space<vmem>>, vector<1x16xf32>,
          %get3A_107 = arith.index_cast %scan3A_66 : i32 to index
          %get3A_108 = arith.constant 48 : index
          %get3A_109 = tpu.vector_load %arg15[%get3A_107, %get3A_108] {strides = array<i32>} : memref<128x128xf32, #tpu.memory_space<vmem>>, vector<1x16xf32>,
          %get3A_110 = vector.shape_cast %get3A_109 : vector<1x16xf32> to vector<16xf32>
          %get3A_111 = arith.index_cast %scan3A_66 : i32 to index
          %get3A_112 = arith.constant 48 : index
          %get3A_113 = tpu.vector_load %arg16[%get3A_111, %get3A_112] {strides = array<i32>} : memref<128x128xf32, #tpu.memory_space<vmem>>, vector<1x16xf32>,
          %get3A_114 = vector.shape_cast %get3A_113 : vector<1x16xf32> to vector<16xf32>
          %mul3A_115 = arith.mulf %get3A_110, %get3A_114 : vector<16xf32>
          %swap3A_116 = arith.index_cast %scan3A_66 : i32 to index
          %swap3A_117 = arith.constant 48 : index
          %swap3A_118 = tpu.vector_load %arg15[%swap3A_116, %swap3A_117] {strides = array<i32>} : memref<128x128xf32, #tpu.memory_space<vmem>>, vector<1x16xf32>,
          %swap3A_119 = vector.shape_cast %swap3A_118 : vector<1x16xf32> to vector<16xf32>
          %swap3A_120 = vector.shape_cast %mul3A_115 : vector<16xf32> to vector<1x16xf32>
          tpu.vector_store %arg15[%swap3A_116, %swap3A_117], %swap3A_120 {strides = array<i32>} : memref<128x128xf32, #tpu.memory_space<vmem>>, vector<1x16xf32>,
          %get3A_121 = arith.index_cast %scan3A_66 : i32 to index
          %get3A_122 = arith.constant 64 : index
          %get3A_123 = tpu.vector_load %arg15[%get3A_121, %get3A_122] {strides = array<i32>} : memref<128x128xf32, #tpu.memory_space<vmem>>, vector<1x16xf32>,
          %get3A_124 = vector.shape_cast %get3A_123 : vector<1x16xf32> to vector<16xf32>
          %get3A_125 = arith.index_cast %scan3A_66 : i32 to index
          %get3A_126 = arith.constant 64 : index
          %get3A_127 = tpu.vector_load %arg16[%get3A_125, %get3A_126] {strides = array<i32>} : memref<128x128xf32, #tpu.memory_space<vmem>>, vector<1x16xf32>,
          %get3A_128 = vector.shape_cast %get3A_127 : vector<1x16xf32> to vector<16xf32>
          %mul3A_129 = arith.mulf %get3A_124, %get3A_128 : vector<16xf32>
          %swap3A_130 = arith.index_cast %scan3A_66 : i32 to index
          %swap3A_131 = arith.constant 64 : index
          %swap3A_132 = tpu.vector_load %arg15[%swap3A_130, %swap3A_131] {strides = array<i32>} : memref<128x128xf32, #tpu.memory_space<vmem>>, vector<1x16xf32>,
          %swap3A_133 = vector.shape_cast %swap3A_132 : vector<1x16xf32> to vector<16xf32>
          %swap3A_134 = vector.shape_cast %mul3A_129 : vector<16xf32> to vector<1x16xf32>
          tpu.vector_store %arg15[%swap3A_130, %swap3A_131], %swap3A_134 {strides = array<i32>} : memref<128x128xf32, #tpu.memory_space<vmem>>, vector<1x16xf32>,
          %get3A_135 = arith.index_cast %scan3A_66 : i32 to index
          %get3A_136 = arith.constant 80 : index
          %get3A_137 = tpu.vector_load %arg15[%get3A_135, %get3A_136] {strides = array<i32>} : memref<128x128xf32, #tpu.memory_space<vmem>>, vector<1x16xf32>,
          %get3A_138 = vector.shape_cast %get3A_137 : vector<1x16xf32> to vector<16xf32>
          %get3A_139 = arith.index_cast %scan3A_66 : i32 to index
          %get3A_140 = arith.constant 80 : index
          %get3A_141 = tpu.vector_load %arg16[%get3A_139, %get3A_140] {strides = array<i32>} : memref<128x128xf32, #tpu.memory_space<vmem>>, vector<1x16xf32>,
          %get3A_142 = vector.shape_cast %get3A_141 : vector<1x16xf32> to vector<16xf32>
          %mul3A_143 = arith.mulf %get3A_138, %get3A_142 : vector<16xf32>
          %swap3A_144 = arith.index_cast %scan3A_66 : i32 to index
          %swap3A_145 = arith.constant 80 : index
          %swap3A_146 = tpu.vector_load %arg15[%swap3A_144, %swap3A_145] {strides = array<i32>} : memref<128x128xf32, #tpu.memory_space<vmem>>, vector<1x16xf32>,
          %swap3A_147 = vector.shape_cast %swap3A_146 : vector<1x16xf32> to vector<16xf32>
          %swap3A_148 = vector.shape_cast %mul3A_143 : vector<16xf32> to vector<1x16xf32>
          tpu.vector_store %arg15[%swap3A_144, %swap3A_145], %swap3A_148 {strides = array<i32>} : memref<128x128xf32, #tpu.memory_space<vmem>>, vector<1x16xf32>,
          %get3A_149 = arith.index_cast %scan3A_66 : i32 to index
          %get3A_150 = arith.constant 96 : index
          %get3A_151 = tpu.vector_load %arg15[%get3A_149, %get3A_150] {strides = array<i32>} : memref<128x128xf32, #tpu.memory_space<vmem>>, vector<1x16xf32>,
          %get3A_152 = vector.shape_cast %get3A_151 : vector<1x16xf32> to vector<16xf32>
          %get3A_153 = arith.index_cast %scan3A_66 : i32 to index
          %get3A_154 = arith.constant 96 : index
          %get3A_155 = tpu.vector_load %arg16[%get3A_153, %get3A_154] {strides = array<i32>} : memref<128x128xf32, #tpu.memory_space<vmem>>, vector<1x16xf32>,
          %get3A_156 = vector.shape_cast %get3A_155 : vector<1x16xf32> to vector<16xf32>
          %mul3A_157 = arith.mulf %get3A_152, %get3A_156 : vector<16xf32>
          %swap3A_158 = arith.index_cast %scan3A_66 : i32 to index
          %swap3A_159 = arith.constant 96 : index
          %swap3A_160 = tpu.vector_load %arg15[%swap3A_158, %swap3A_159] {strides = array<i32>} : memref<128x128xf32, #tpu.memory_space<vmem>>, vector<1x16xf32>,
          %swap3A_161 = vector.shape_cast %swap3A_160 : vector<1x16xf32> to vector<16xf32>
          %swap3A_162 = vector.shape_cast %mul3A_157 : vector<16xf32> to vector<1x16xf32>
          tpu.vector_store %arg15[%swap3A_158, %swap3A_159], %swap3A_162 {strides = array<i32>} : memref<128x128xf32, #tpu.memory_space<vmem>>, vector<1x16xf32>,
          %get3A_163 = arith.index_cast %scan3A_66 : i32 to index
          %get3A_164 = arith.constant 112 : index
          %get3A_165 = tpu.vector_load %arg15[%get3A_163, %get3A_164] {strides = array<i32>} : memref<128x128xf32, #tpu.memory_space<vmem>>, vector<1x16xf32>,
          %get3A_166 = vector.shape_cast %get3A_165 : vector<1x16xf32> to vector<16xf32>
          %get3A_167 = arith.index_cast %scan3A_66 : i32 to index
          %get3A_168 = arith.constant 112 : index
          %get3A_169 = tpu.vector_load %arg16[%get3A_167, %get3A_168] {strides = array<i32>} : memref<128x128xf32, #tpu.memory_space<vmem>>, vector<1x16xf32>,
          %get3A_170 = vector.shape_cast %get3A_169 : vector<1x16xf32> to vector<16xf32>
          %mul3A_171 = arith.mulf %get3A_166, %get3A_170 : vector<16xf32>
          %swap3A_172 = arith.index_cast %scan3A_66 : i32 to index
          %swap3A_173 = arith.constant 112 : index
          %swap3A_174 = tpu.vector_load %arg15[%swap3A_172, %swap3A_173] {strides = array<i32>} : memref<128x128xf32, #tpu.memory_space<vmem>>, vector<1x16xf32>,
          %swap3A_175 = vector.shape_cast %swap3A_174 : vector<1x16xf32> to vector<16xf32>
          %swap3A_176 = vector.shape_cast %mul3A_171 : vector<16xf32> to vector<1x16xf32>
          tpu.vector_store %arg15[%swap3A_172, %swap3A_173], %swap3A_176 {strides = array<i32>} : memref<128x128xf32, #tpu.memory_space<vmem>>, vector<1x16xf32>,
        }
        %scan3A_65 = arith.constant 128 : i32
        "tpu.region"() ({
          %run_scoped3A = tpu.sem_alloc : memref<!tpu.dma_semaphore, #tpu.memory_space<semaphore_mem>>
          %dma_start3A_66 = arith.constant 0 : i32
          %dma_start3A_67 = tpu.memref_slice %arg14[%scan3A_37, %dma_start3A_66] : memref<16x128xi32, #tpu.memory_space<vmem>> -> memref<1x128xi32, #tpu.memory_space<vmem>>
          %dma_start3A_68 = tpu.memref_squeeze %dma_start3A_67 : memref<1x128xi32, #tpu.memory_space<vmem>> -> memref<128xi32, #tpu.memory_space<vmem>>
          %dma_start3A_69 = arith.constant 0 : i32
          %dma_start3A_70 = arith.constant 0 : i32
          %dma_start3A_71 = tpu.memref_slice %arg18[%dma_start3A_69, %dma_start3A_70] : memref<5008x128xf32, #tpu.memory_space<vmem_shared>> -> memref<5008x128xf32, #tpu.memory_space<vmem_shared>>
          tpu.enqueue_indirect_dma source(%arg15 : memref<128x128xf32, #tpu.memory_space<vmem>>) target(%dma_start3A_71 : memref<5008x128xf32, #tpu.memory_space<vmem_shared>>) offsets(%dma_start3A_68 : memref<128xi32, #tpu.memory_space<vmem>>) semaphore(%run_scoped3A : memref<!tpu.dma_semaphore, #tpu.memory_space<semaphore_mem>>) {add = true}
          %dma_wait3A_72 = arith.constant 0 : i32
          %dma_wait3A_73 = tpu.memref_slice %arg14[%scan3A_37, %dma_wait3A_72] : memref<16x128xi32, #tpu.memory_space<vmem>> -> memref<1x128xi32, #tpu.memory_space<vmem>>
          %dma_wait3A_74 = tpu.memref_squeeze %dma_wait3A_73 : memref<1x128xi32, #tpu.memory_space<vmem>> -> memref<128xi32, #tpu.memory_space<vmem>>
          %dma_wait3A_75 = arith.constant 0 : i32
          %dma_wait3A_76 = arith.constant 0 : i32
          %dma_wait3A_77 = tpu.memref_slice %arg18[%dma_wait3A_75, %dma_wait3A_76] : memref<5008x128xf32, #tpu.memory_space<vmem_shared>> -> memref<5008x128xf32, #tpu.memory_space<vmem_shared>>
          tpu.wait_indirect_dma semaphore(%run_scoped3A : memref<!tpu.dma_semaphore, #tpu.memory_space<semaphore_mem>>) src(%arg15 : memref<128x128xf32, #tpu.memory_space<vmem>>) dst(%dma_wait3A_77 : memref<5008x128xf32, #tpu.memory_space<vmem_shared>>)
          tpu.yield
        }) : () -> ()
        "tpu.region"() ({
          %run_scoped3A = tpu.sem_alloc : memref<!tpu.dma_semaphore, #tpu.memory_space<semaphore_mem>>
          %dma_start3A_66 = arith.constant 0 : i32
          %dma_start3A_67 = tpu.memref_slice %arg14[%scan3A_37, %dma_start3A_66] : memref<16x128xi32, #tpu.memory_space<vmem>> -> memref<1x128xi32, #tpu.memory_space<vmem>>
          %dma_start3A_68 = tpu.memref_squeeze %dma_start3A_67 : memref<1x128xi32, #tpu.memory_space<vmem>> -> memref<128xi32, #tpu.memory_space<vmem>>
          %dma_start3A_69 = arith.constant 0 : i32
          %dma_start3A_70 = tpu.memref_slice %arg19[%dma_start3A_69] : memref<5008xf32, #tpu.memory_space<vmem_shared>> -> memref<5008xf32, #tpu.memory_space<vmem_shared>>
          tpu.enqueue_indirect_dma source(%arg17 : memref<128xf32, #tpu.memory_space<vmem>>) target(%dma_start3A_70 : memref<5008xf32, #tpu.memory_space<vmem_shared>>) offsets(%dma_start3A_68 : memref<128xi32, #tpu.memory_space<vmem>>) semaphore(%run_scoped3A : memref<!tpu.dma_semaphore, #tpu.memory_space<semaphore_mem>>) {add = true}
          %dma_wait3A_71 = arith.constant 0 : i32
          %dma_wait3A_72 = tpu.memref_slice %arg14[%scan3A_37, %dma_wait3A_71] : memref<16x128xi32, #tpu.memory_space<vmem>> -> memref<1x128xi32, #tpu.memory_space<vmem>>
          %dma_wait3A_73 = tpu.memref_squeeze %dma_wait3A_72 : memref<1x128xi32, #tpu.memory_space<vmem>> -> memref<128xi32, #tpu.memory_space<vmem>>
          %dma_wait3A_74 = arith.constant 0 : i32
          %dma_wait3A_75 = tpu.memref_slice %arg19[%dma_wait3A_74] : memref<5008xf32, #tpu.memory_space<vmem_shared>> -> memref<5008xf32, #tpu.memory_space<vmem_shared>>
          tpu.wait_indirect_dma semaphore(%run_scoped3A : memref<!tpu.dma_semaphore, #tpu.memory_space<semaphore_mem>>) src(%arg17 : memref<128xf32, #tpu.memory_space<vmem>>) dst(%dma_wait3A_75 : memref<5008xf32, #tpu.memory_space<vmem_shared>>)
          tpu.yield
        }) : () -> ()
      }
      %scan3A_36 = arith.constant 16 : i32
    }
    %scan3A_16 = arith.constant 10 : i32
    %barrier3A_17 = arith.constant 0 : index
    tpu.barrier barrier_id(%barrier3A_17)
    %lt3A_18 = arith.constant 5 : i32
    %lt3A_19 = arith.cmpi slt, %arg1, %lt3A_18 : i32
    %convert_element_type3A_20 = arith.extui %lt3A_19 : i1 to i32
    %cond3A_21 = arith.constant 0 : i32
    %cond3A_22 = arith.cmpi ne, %convert_element_type3A_20, %cond3A_21 : i32
    scf.if %cond3A_22 {
      %mul3A_28 = arith.constant 1000 : i32
      %mul3A_29 = arith.muli %arg1, %mul3A_28 : i32
      "tpu.region"() ({
        %run_scoped3A = tpu.sem_alloc : memref<!tpu.dma_semaphore, #tpu.memory_space<semaphore_mem>>
        %dma_start3A = arith.constant 0 : i32
        %dma_start3A_30 = tpu.memref_slice %arg10[%arg0, %mul3A_29, %dma_start3A] : memref<2x5000x128xf32, #tpu.memory_space<hbm>> -> memref<1x1000x128xf32, #tpu.memory_space<hbm>>
        %dma_start3A_31 = tpu.memref_squeeze %dma_start3A_30 : memref<1x1000x128xf32, #tpu.memory_space<hbm>> -> memref<1000x128xf32, #tpu.memory_space<hbm>>
        %dma_start3A_32 = arith.constant 0 : i32
        %dma_start3A_33 = tpu.memref_slice %arg18[%mul3A_29, %dma_start3A_32] : memref<5008x128xf32, #tpu.memory_space<vmem_shared>> -> memref<1000x128xf32, #tpu.memory_space<vmem_shared>>
        tpu.enqueue_dma source(%dma_start3A_33 : memref<1000x128xf32, #tpu.memory_space<vmem_shared>>) target(%dma_start3A_31 : memref<1000x128xf32, #tpu.memory_space<hbm>>) target_semaphore(%run_scoped3A : memref<!tpu.dma_semaphore, #tpu.memory_space<semaphore_mem>>)
        %dma_wait3A = arith.constant 0 : i32
        %dma_wait3A_34 = tpu.memref_slice %arg10[%arg0, %mul3A_29, %dma_wait3A] : memref<2x5000x128xf32, #tpu.memory_space<hbm>> -> memref<1x1000x128xf32, #tpu.memory_space<hbm>>
        %dma_wait3A_35 = tpu.memref_squeeze %dma_wait3A_34 : memref<1x1000x128xf32, #tpu.memory_space<hbm>> -> memref<1000x128xf32, #tpu.memory_space<hbm>>
        %dma_wait3A_36 = arith.constant 0 : i32
        %dma_wait3A_37 = tpu.memref_slice %arg18[%mul3A_29, %dma_wait3A_36] : memref<5008x128xf32, #tpu.memory_space<vmem_shared>> -> memref<1000x128xf32, #tpu.memory_space<vmem_shared>>
        tpu.wait_dma2 semaphore(%run_scoped3A : memref<!tpu.dma_semaphore, #tpu.memory_space<semaphore_mem>>) src(%dma_wait3A_37 : memref<1000x128xf32, #tpu.memory_space<vmem_shared>>) dst(%dma_wait3A_35 : memref<1000x128xf32, #tpu.memory_space<hbm>>)
        tpu.yield
      }) : () -> ()
    } else {
    }
    %eq3A_23 = arith.constant 5 : i32
    %eq3A_24 = arith.cmpi eq, %arg1, %eq3A_23 : i32
    %convert_element_type3A_25 = arith.extui %eq3A_24 : i1 to i32
    %cond3A_26 = arith.constant 0 : i32
    %cond3A_27 = arith.cmpi ne, %convert_element_type3A_25, %cond3A_26 : i32
    scf.if %cond3A_27 {
      "tpu.region"() ({
        %run_scoped3A = tpu.sem_alloc : memref<!tpu.dma_semaphore, #tpu.memory_space<semaphore_mem>>
        %dma_start3A = arith.constant 0 : i32
        %dma_start3A_28 = tpu.memref_slice %arg11[%arg0, %dma_start3A] : memref<2x5008xf32, #tpu.memory_space<hbm>> -> memref<1x5008xf32, #tpu.memory_space<hbm>>
        %dma_start3A_29 = tpu.memref_squeeze %dma_start3A_28 : memref<1x5008xf32, #tpu.memory_space<hbm>> -> memref<5008xf32, #tpu.memory_space<hbm>>
        tpu.enqueue_dma source(%arg19 : memref<5008xf32, #tpu.memory_space<vmem_shared>>) target(%dma_start3A_29 : memref<5008xf32, #tpu.memory_space<hbm>>) target_semaphore(%run_scoped3A : memref<!tpu.dma_semaphore, #tpu.memory_space<semaphore_mem>>)
        %dma_wait3A = arith.constant 0 : i32
        %dma_wait3A_30 = tpu.memref_slice %arg11[%arg0, %dma_wait3A] : memref<2x5008xf32, #tpu.memory_space<hbm>> -> memref<1x5008xf32, #tpu.memory_space<hbm>>
        %dma_wait3A_31 = tpu.memref_squeeze %dma_wait3A_30 : memref<1x5008xf32, #tpu.memory_space<hbm>> -> memref<5008xf32, #tpu.memory_space<hbm>>
        tpu.wait_dma2 semaphore(%run_scoped3A : memref<!tpu.dma_semaphore, #tpu.memory_space<semaphore_mem>>) src(%arg19 : memref<5008xf32, #tpu.memory_space<vmem_shared>>) dst(%dma_wait3A_31 : memref<5008xf32, #tpu.memory_space<hbm>>)
        tpu.yield
      }) : () -> ()
    } else {
    }
    return
  }
}

#map = affine_map<(d0, d1) -> (0, 0)>
#map1 = affine_map<(d0, d1) -> (0, 0, 0)>
#map2 = affine_map<(d0, d1) -> (0)>
module attributes {stable_mosaic.version = 14 : i64} {
  func.func @_edge_pass_body(%arg0: i32, %arg1: i32, %arg2: memref<2560x128xi32, #tpu.memory_space<hbm>>, %arg3: memref<2x2560x128xi32, #tpu.memory_space<hbm>>, %arg4: memref<2560x128xi32, #tpu.memory_space<hbm>>, %arg5: memref<10000x128xf32, #tpu.memory_space<hbm>>, %arg6: memref<200x128xf32, #tpu.memory_space<hbm>>, %arg7: memref<1000x128xf32, #tpu.memory_space<hbm>>, %arg8: memref<5008xf32, #tpu.memory_space<hbm>>, %arg9: memref<128xf32, #tpu.memory_space<hbm>>, %arg10: memref<2x5000x128xf32, #tpu.memory_space<hbm>>, %arg11: memref<2x5008xf32, #tpu.memory_space<hbm>>, %arg12: memref<16x128xi32, #tpu.memory_space<vmem>>, %arg13: memref<16x128xi32, #tpu.memory_space<vmem>>, %arg14: memref<16x128xi32, #tpu.memory_space<vmem>>, %arg15: memref<128x128xf32, #tpu.memory_space<vmem>>, %arg16: memref<128x128xf32, #tpu.memory_space<vmem>>, %arg17: memref<128xf32, #tpu.memory_space<vmem>>, %arg18: memref<5008x128xf32, #tpu.memory_space<vmem_shared>>, %arg19: memref<5008xf32, #tpu.memory_space<vmem_shared>>, %arg20: memref<200x128xf32, #tpu.memory_space<vmem_shared>>, %arg21: memref<!tpu.dma_semaphore, #tpu.memory_space<semaphore_mem>>, %arg22: memref<!tpu.dma_semaphore, #tpu.memory_space<semaphore_mem>>) attributes {dimension_semantics = [#tpu.dimension_semantics<core_parallel>, #tpu.dimension_semantics<subcore_parallel>], iteration_bounds = array<i64: 2, 16>, scalar_prefetch = 0 : i64, scratch_operands = 11 : i64, tpu.core_type = #tpu.core_type<sc_vector_subcore>, window_params = [{transform_indices = #map}, {transform_indices = #map1}, {transform_indices = #map}, {transform_indices = #map}, {transform_indices = #map}, {transform_indices = #map}, {transform_indices = #map2}, {transform_indices = #map2}, {transform_indices = #map1}, {transform_indices = #map}]} {
    %lt3A = arith.constant 5 : i32
    %lt3A_0 = arith.cmpi slt, %arg1, %lt3A : i32
    %convert_element_type3A = arith.extui %lt3A_0 : i1 to i32
    %cond3A = arith.constant 0 : i32
    %cond3A_1 = arith.cmpi ne, %convert_element_type3A, %cond3A : i32
    scf.if %cond3A_1 {
      %mul3A_28 = arith.constant 1000 : i32
      %mul3A_29 = arith.muli %arg1, %mul3A_28 : i32
      "tpu.region"() ({
        %run_scoped3A = tpu.sem_alloc : memref<!tpu.dma_semaphore, #tpu.memory_space<semaphore_mem>>
        %dma_start3A = arith.constant 0 : i32
        %dma_start3A_30 = tpu.memref_slice %arg18[%mul3A_29, %dma_start3A] : memref<5008x128xf32, #tpu.memory_space<vmem_shared>> -> memref<1000x128xf32, #tpu.memory_space<vmem_shared>>
        tpu.enqueue_dma source(%arg7 : memref<1000x128xf32, #tpu.memory_space<hbm>>) target(%dma_start3A_30 : memref<1000x128xf32, #tpu.memory_space<vmem_shared>>) target_semaphore(%run_scoped3A : memref<!tpu.dma_semaphore, #tpu.memory_space<semaphore_mem>>)
        %dma_wait3A = arith.constant 0 : i32
        %dma_wait3A_31 = tpu.memref_slice %arg18[%mul3A_29, %dma_wait3A] : memref<5008x128xf32, #tpu.memory_space<vmem_shared>> -> memref<1000x128xf32, #tpu.memory_space<vmem_shared>>
        tpu.wait_dma2 semaphore(%run_scoped3A : memref<!tpu.dma_semaphore, #tpu.memory_space<semaphore_mem>>) src(%arg7 : memref<1000x128xf32, #tpu.memory_space<hbm>>) dst(%dma_wait3A_31 : memref<1000x128xf32, #tpu.memory_space<vmem_shared>>)
        tpu.yield
      }) : () -> ()
    } else {
    }
    %eq3A = arith.constant 5 : i32
    %eq3A_2 = arith.cmpi eq, %arg1, %eq3A : i32
    %convert_element_type3A_3 = arith.extui %eq3A_2 : i1 to i32
    %cond3A_4 = arith.constant 0 : i32
    %cond3A_5 = arith.cmpi ne, %convert_element_type3A_3, %cond3A_4 : i32
    scf.if %cond3A_5 {
      "tpu.region"() ({
        %run_scoped3A = tpu.sem_alloc : memref<!tpu.dma_semaphore, #tpu.memory_space<semaphore_mem>>
        tpu.enqueue_dma source(%arg8 : memref<5008xf32, #tpu.memory_space<hbm>>) target(%arg19 : memref<5008xf32, #tpu.memory_space<vmem_shared>>) target_semaphore(%run_scoped3A : memref<!tpu.dma_semaphore, #tpu.memory_space<semaphore_mem>>)
        tpu.wait_dma2 semaphore(%run_scoped3A : memref<!tpu.dma_semaphore, #tpu.memory_space<semaphore_mem>>) src(%arg8 : memref<5008xf32, #tpu.memory_space<hbm>>) dst(%arg19 : memref<5008xf32, #tpu.memory_space<vmem_shared>>)
        tpu.yield
      }) : () -> ()
    } else {
    }
    %eq3A_6 = arith.constant 6 : i32
    %eq3A_7 = arith.cmpi eq, %arg1, %eq3A_6 : i32
    %convert_element_type3A_8 = arith.extui %eq3A_7 : i1 to i32
    %cond3A_9 = arith.constant 0 : i32
    %cond3A_10 = arith.cmpi ne, %convert_element_type3A_8, %cond3A_9 : i32
    scf.if %cond3A_10 {
      "tpu.region"() ({
        %run_scoped3A = tpu.sem_alloc : memref<!tpu.dma_semaphore, #tpu.memory_space<semaphore_mem>>
        tpu.enqueue_dma source(%arg6 : memref<200x128xf32, #tpu.memory_space<hbm>>) target(%arg20 : memref<200x128xf32, #tpu.memory_space<vmem_shared>>) target_semaphore(%run_scoped3A : memref<!tpu.dma_semaphore, #tpu.memory_space<semaphore_mem>>)
        tpu.wait_dma2 semaphore(%run_scoped3A : memref<!tpu.dma_semaphore, #tpu.memory_space<semaphore_mem>>) src(%arg6 : memref<200x128xf32, #tpu.memory_space<hbm>>) dst(%arg20 : memref<200x128xf32, #tpu.memory_space<vmem_shared>>)
        tpu.yield
      }) : () -> ()
    } else {
    }
    "tpu.region"() ({
      %run_scoped3A = tpu.sem_alloc : memref<!tpu.dma_semaphore, #tpu.memory_space<semaphore_mem>>
      tpu.enqueue_dma source(%arg9 : memref<128xf32, #tpu.memory_space<hbm>>) target(%arg17 : memref<128xf32, #tpu.memory_space<vmem>>) target_semaphore(%run_scoped3A : memref<!tpu.dma_semaphore, #tpu.memory_space<semaphore_mem>>)
      tpu.wait_dma2 semaphore(%run_scoped3A : memref<!tpu.dma_semaphore, #tpu.memory_space<semaphore_mem>>) src(%arg9 : memref<128xf32, #tpu.memory_space<hbm>>) dst(%arg17 : memref<128xf32, #tpu.memory_space<vmem>>)
      tpu.yield
    }) : () -> ()
    %barrier3A = arith.constant 0 : index
    tpu.barrier barrier_id(%barrier3A)
    %mul3A = arith.constant 160 : i32
    %mul3A_11 = arith.muli %arg1, %mul3A : i32
    %scan3A = arith.constant 0 : i32
    %scan3A_12 = arith.constant 0 : i32
    %scan3A_13 = arith.constant 10 : i32
    %scan3A_14 = arith.addi %scan3A_12, %scan3A_13 : i32
    %scan3A_15 = arith.constant 1 : i32
    scf.for %scan3A_28 = %scan3A_12 to %scan3A_14 step %scan3A_15  : i32 {
      %mul3A_29 = arith.constant 16 : i32
      %mul3A_30 = arith.muli %scan3A_28, %mul3A_29 : i32
      %add3A = arith.addi %mul3A_11, %mul3A_30 : i32
      "tpu.region"() ({
        %run_scoped3A = tpu.sem_alloc : memref<!tpu.dma_semaphore, #tpu.memory_space<semaphore_mem>>
        %dma_start3A = arith.constant 0 : i32
        %dma_start3A_37 = tpu.memref_slice %arg2[%add3A, %dma_start3A] : memref<2560x128xi32, #tpu.memory_space<hbm>> -> memref<16x128xi32, #tpu.memory_space<hbm>>
        %dma_start3A_38 = arith.constant 0 : i32
        %dma_start3A_39 = tpu.memref_slice %arg2[%add3A, %dma_start3A_38] : memref<2560x128xi32, #tpu.memory_space<hbm>> -> memref<16x128xi32, #tpu.memory_space<hbm>>
        tpu.enqueue_dma source(%dma_start3A_39 : memref<16x128xi32, #tpu.memory_space<hbm>>) target(%arg12 : memref<16x128xi32, #tpu.memory_space<vmem>>) target_semaphore(%run_scoped3A : memref<!tpu.dma_semaphore, #tpu.memory_space<semaphore_mem>>)
        %dma_wait3A = arith.constant 0 : i32
        %dma_wait3A_40 = tpu.memref_slice %arg2[%add3A, %dma_wait3A] : memref<2560x128xi32, #tpu.memory_space<hbm>> -> memref<16x128xi32, #tpu.memory_space<hbm>>
        %dma_wait3A_41 = arith.constant 0 : i32
        %dma_wait3A_42 = tpu.memref_slice %arg2[%add3A, %dma_wait3A_41] : memref<2560x128xi32, #tpu.memory_space<hbm>> -> memref<16x128xi32, #tpu.memory_space<hbm>>
        tpu.wait_dma2 semaphore(%run_scoped3A : memref<!tpu.dma_semaphore, #tpu.memory_space<semaphore_mem>>) src(%dma_wait3A_42 : memref<16x128xi32, #tpu.memory_space<hbm>>) dst(%arg12 : memref<16x128xi32, #tpu.memory_space<vmem>>)
        tpu.yield
      }) : () -> ()
      "tpu.region"() ({
        %run_scoped3A = tpu.sem_alloc : memref<!tpu.dma_semaphore, #tpu.memory_space<semaphore_mem>>
        %dma_start3A = arith.constant 0 : i32
        %dma_start3A_37 = tpu.memref_slice %arg4[%add3A, %dma_start3A] : memref<2560x128xi32, #tpu.memory_space<hbm>> -> memref<16x128xi32, #tpu.memory_space<hbm>>
        %dma_start3A_38 = arith.constant 0 : i32
        %dma_start3A_39 = tpu.memref_slice %arg4[%add3A, %dma_start3A_38] : memref<2560x128xi32, #tpu.memory_space<hbm>> -> memref<16x128xi32, #tpu.memory_space<hbm>>
        tpu.enqueue_dma source(%dma_start3A_39 : memref<16x128xi32, #tpu.memory_space<hbm>>) target(%arg13 : memref<16x128xi32, #tpu.memory_space<vmem>>) target_semaphore(%run_scoped3A : memref<!tpu.dma_semaphore, #tpu.memory_space<semaphore_mem>>)
        %dma_wait3A = arith.constant 0 : i32
        %dma_wait3A_40 = tpu.memref_slice %arg4[%add3A, %dma_wait3A] : memref<2560x128xi32, #tpu.memory_space<hbm>> -> memref<16x128xi32, #tpu.memory_space<hbm>>
        %dma_wait3A_41 = arith.constant 0 : i32
        %dma_wait3A_42 = tpu.memref_slice %arg4[%add3A, %dma_wait3A_41] : memref<2560x128xi32, #tpu.memory_space<hbm>> -> memref<16x128xi32, #tpu.memory_space<hbm>>
        tpu.wait_dma2 semaphore(%run_scoped3A : memref<!tpu.dma_semaphore, #tpu.memory_space<semaphore_mem>>) src(%dma_wait3A_42 : memref<16x128xi32, #tpu.memory_space<hbm>>) dst(%arg13 : memref<16x128xi32, #tpu.memory_space<vmem>>)
        tpu.yield
      }) : () -> ()
      "tpu.region"() ({
        %run_scoped3A = tpu.sem_alloc : memref<!tpu.dma_semaphore, #tpu.memory_space<semaphore_mem>>
        %dma_start3A = arith.constant 0 : i32
        %dma_start3A_37 = tpu.memref_slice %arg3[%arg0, %add3A, %dma_start3A] : memref<2x2560x128xi32, #tpu.memory_space<hbm>> -> memref<1x16x128xi32, #tpu.memory_space<hbm>>
        %dma_start3A_38 = tpu.memref_squeeze %dma_start3A_37 : memref<1x16x128xi32, #tpu.memory_space<hbm>> -> memref<16x128xi32, #tpu.memory_space<hbm>>
        %dma_start3A_39 = arith.constant 0 : i32
        %dma_start3A_40 = tpu.memref_slice %arg3[%arg0, %add3A, %dma_start3A_39] : memref<2x2560x128xi32, #tpu.memory_space<hbm>> -> memref<1x16x128xi32, #tpu.memory_space<hbm>>
        %dma_start3A_41 = tpu.memref_squeeze %dma_start3A_40 : memref<1x16x128xi32, #tpu.memory_space<hbm>> -> memref<16x128xi32, #tpu.memory_space<hbm>>
        tpu.enqueue_dma source(%dma_start3A_41 : memref<16x128xi32, #tpu.memory_space<hbm>>) target(%arg14 : memref<16x128xi32, #tpu.memory_space<vmem>>) target_semaphore(%run_scoped3A : memref<!tpu.dma_semaphore, #tpu.memory_space<semaphore_mem>>)
        %dma_wait3A = arith.constant 0 : i32
        %dma_wait3A_42 = tpu.memref_slice %arg3[%arg0, %add3A, %dma_wait3A] : memref<2x2560x128xi32, #tpu.memory_space<hbm>> -> memref<1x16x128xi32, #tpu.memory_space<hbm>>
        %dma_wait3A_43 = tpu.memref_squeeze %dma_wait3A_42 : memref<1x16x128xi32, #tpu.memory_space<hbm>> -> memref<16x128xi32, #tpu.memory_space<hbm>>
        %dma_wait3A_44 = arith.constant 0 : i32
        %dma_wait3A_45 = tpu.memref_slice %arg3[%arg0, %add3A, %dma_wait3A_44] : memref<2x2560x128xi32, #tpu.memory_space<hbm>> -> memref<1x16x128xi32, #tpu.memory_space<hbm>>
        %dma_wait3A_46 = tpu.memref_squeeze %dma_wait3A_45 : memref<1x16x128xi32, #tpu.memory_space<hbm>> -> memref<16x128xi32, #tpu.memory_space<hbm>>
        tpu.wait_dma2 semaphore(%run_scoped3A : memref<!tpu.dma_semaphore, #tpu.memory_space<semaphore_mem>>) src(%dma_wait3A_46 : memref<16x128xi32, #tpu.memory_space<hbm>>) dst(%arg14 : memref<16x128xi32, #tpu.memory_space<vmem>>)
        tpu.yield
      }) : () -> ()
      %scan3A_31 = arith.constant 0 : i32
      %scan3A_32 = arith.constant 0 : i32
      %scan3A_33 = arith.constant 16 : i32
      %scan3A_34 = arith.addi %scan3A_32, %scan3A_33 : i32
      %scan3A_35 = arith.constant 1 : i32
      scf.for %scan3A_37 = %scan3A_32 to %scan3A_34 step %scan3A_35  : i32 {
        %dma_start3A = arith.constant 0 : i32
        %dma_start3A_38 = tpu.memref_slice %arg12[%scan3A_37, %dma_start3A] : memref<16x128xi32, #tpu.memory_space<vmem>> -> memref<1x128xi32, #tpu.memory_space<vmem>>
        %dma_start3A_39 = tpu.memref_squeeze %dma_start3A_38 : memref<1x128xi32, #tpu.memory_space<vmem>> -> memref<128xi32, #tpu.memory_space<vmem>>
        %dma_start3A_40 = arith.constant 0 : i32
        %dma_start3A_41 = arith.constant 0 : i32
        %dma_start3A_42 = tpu.memref_slice %arg5[%dma_start3A_40, %dma_start3A_41] : memref<10000x128xf32, #tpu.memory_space<hbm>> -> memref<10000x128xf32, #tpu.memory_space<hbm>>
        tpu.enqueue_indirect_dma source(%dma_start3A_42 : memref<10000x128xf32, #tpu.memory_space<hbm>>) target(%arg15 : memref<128x128xf32, #tpu.memory_space<vmem>>) offsets(%dma_start3A_39 : memref<128xi32, #tpu.memory_space<vmem>>) semaphore(%arg21 : memref<!tpu.dma_semaphore, #tpu.memory_space<semaphore_mem>>)
        %dma_start3A_43 = arith.constant 0 : i32
        %dma_start3A_44 = tpu.memref_slice %arg13[%scan3A_37, %dma_start3A_43] : memref<16x128xi32, #tpu.memory_space<vmem>> -> memref<1x128xi32, #tpu.memory_space<vmem>>
        %dma_start3A_45 = tpu.memref_squeeze %dma_start3A_44 : memref<1x128xi32, #tpu.memory_space<vmem>> -> memref<128xi32, #tpu.memory_space<vmem>>
        %dma_start3A_46 = arith.constant 0 : i32
        %dma_start3A_47 = arith.constant 0 : i32
        %dma_start3A_48 = tpu.memref_slice %arg20[%dma_start3A_46, %dma_start3A_47] : memref<200x128xf32, #tpu.memory_space<vmem_shared>> -> memref<200x128xf32, #tpu.memory_space<vmem_shared>>
        tpu.enqueue_indirect_dma source(%dma_start3A_48 : memref<200x128xf32, #tpu.memory_space<vmem_shared>>) target(%arg16 : memref<128x128xf32, #tpu.memory_space<vmem>>) offsets(%dma_start3A_45 : memref<128xi32, #tpu.memory_space<vmem>>) semaphore(%arg22 : memref<!tpu.dma_semaphore, #tpu.memory_space<semaphore_mem>>)
        %dma_wait3A = arith.constant 0 : i32
        %dma_wait3A_49 = tpu.memref_slice %arg12[%scan3A_37, %dma_wait3A] : memref<16x128xi32, #tpu.memory_space<vmem>> -> memref<1x128xi32, #tpu.memory_space<vmem>>
        %dma_wait3A_50 = tpu.memref_squeeze %dma_wait3A_49 : memref<1x128xi32, #tpu.memory_space<vmem>> -> memref<128xi32, #tpu.memory_space<vmem>>
        %dma_wait3A_51 = arith.constant 0 : i32
        %dma_wait3A_52 = arith.constant 0 : i32
        %dma_wait3A_53 = tpu.memref_slice %arg5[%dma_wait3A_51, %dma_wait3A_52] : memref<10000x128xf32, #tpu.memory_space<hbm>> -> memref<10000x128xf32, #tpu.memory_space<hbm>>
        tpu.wait_indirect_dma semaphore(%arg21 : memref<!tpu.dma_semaphore, #tpu.memory_space<semaphore_mem>>) src(%dma_wait3A_53 : memref<10000x128xf32, #tpu.memory_space<hbm>>) dst(%arg15 : memref<128x128xf32, #tpu.memory_space<vmem>>)
        %dma_wait3A_54 = arith.constant 0 : i32
        %dma_wait3A_55 = tpu.memref_slice %arg13[%scan3A_37, %dma_wait3A_54] : memref<16x128xi32, #tpu.memory_space<vmem>> -> memref<1x128xi32, #tpu.memory_space<vmem>>
        %dma_wait3A_56 = tpu.memref_squeeze %dma_wait3A_55 : memref<1x128xi32, #tpu.memory_space<vmem>> -> memref<128xi32, #tpu.memory_space<vmem>>
        %dma_wait3A_57 = arith.constant 0 : i32
        %dma_wait3A_58 = arith.constant 0 : i32
        %dma_wait3A_59 = tpu.memref_slice %arg20[%dma_wait3A_57, %dma_wait3A_58] : memref<200x128xf32, #tpu.memory_space<vmem_shared>> -> memref<200x128xf32, #tpu.memory_space<vmem_shared>>
        tpu.wait_indirect_dma semaphore(%arg22 : memref<!tpu.dma_semaphore, #tpu.memory_space<semaphore_mem>>) src(%dma_wait3A_59 : memref<200x128xf32, #tpu.memory_space<vmem_shared>>) dst(%arg16 : memref<128x128xf32, #tpu.memory_space<vmem>>)
        %scan3A_60 = arith.constant 0 : i32
        %scan3A_61 = arith.constant 0 : i32
        %scan3A_62 = arith.constant 128 : i32
        %scan3A_63 = arith.addi %scan3A_61, %scan3A_62 : i32
        %scan3A_64 = arith.constant 1 : i32
        scf.for %scan3A_66 = %scan3A_61 to %scan3A_63 step %scan3A_64  : i32 {
          %get3A = arith.index_cast %scan3A_66 : i32 to index
          %get3A_67 = arith.constant 0 : index
          %get3A_68 = tpu.vector_load %arg15[%get3A, %get3A_67] {strides = array<i32>} : memref<128x128xf32, #tpu.memory_space<vmem>>, vector<1x16xf32>,
          %get3A_69 = vector.shape_cast %get3A_68 : vector<1x16xf32> to vector<16xf32>
          %get3A_70 = arith.index_cast %scan3A_66 : i32 to index
          %get3A_71 = arith.constant 0 : index
          %get3A_72 = tpu.vector_load %arg16[%get3A_70, %get3A_71] {strides = array<i32>} : memref<128x128xf32, #tpu.memory_space<vmem>>, vector<1x16xf32>,
          %get3A_73 = vector.shape_cast %get3A_72 : vector<1x16xf32> to vector<16xf32>
          %mul3A_74 = arith.mulf %get3A_69, %get3A_73 : vector<16xf32>
          %swap3A = arith.index_cast %scan3A_66 : i32 to index
          %swap3A_75 = arith.constant 0 : index
          %swap3A_76 = tpu.vector_load %arg15[%swap3A, %swap3A_75] {strides = array<i32>} : memref<128x128xf32, #tpu.memory_space<vmem>>, vector<1x16xf32>,
          %swap3A_77 = vector.shape_cast %swap3A_76 : vector<1x16xf32> to vector<16xf32>
          %swap3A_78 = vector.shape_cast %mul3A_74 : vector<16xf32> to vector<1x16xf32>
          tpu.vector_store %arg15[%swap3A, %swap3A_75], %swap3A_78 {strides = array<i32>} : memref<128x128xf32, #tpu.memory_space<vmem>>, vector<1x16xf32>,
          %get3A_79 = arith.index_cast %scan3A_66 : i32 to index
          %get3A_80 = arith.constant 16 : index
          %get3A_81 = tpu.vector_load %arg15[%get3A_79, %get3A_80] {strides = array<i32>} : memref<128x128xf32, #tpu.memory_space<vmem>>, vector<1x16xf32>,
          %get3A_82 = vector.shape_cast %get3A_81 : vector<1x16xf32> to vector<16xf32>
          %get3A_83 = arith.index_cast %scan3A_66 : i32 to index
          %get3A_84 = arith.constant 16 : index
          %get3A_85 = tpu.vector_load %arg16[%get3A_83, %get3A_84] {strides = array<i32>} : memref<128x128xf32, #tpu.memory_space<vmem>>, vector<1x16xf32>,
          %get3A_86 = vector.shape_cast %get3A_85 : vector<1x16xf32> to vector<16xf32>
          %mul3A_87 = arith.mulf %get3A_82, %get3A_86 : vector<16xf32>
          %swap3A_88 = arith.index_cast %scan3A_66 : i32 to index
          %swap3A_89 = arith.constant 16 : index
          %swap3A_90 = tpu.vector_load %arg15[%swap3A_88, %swap3A_89] {strides = array<i32>} : memref<128x128xf32, #tpu.memory_space<vmem>>, vector<1x16xf32>,
          %swap3A_91 = vector.shape_cast %swap3A_90 : vector<1x16xf32> to vector<16xf32>
          %swap3A_92 = vector.shape_cast %mul3A_87 : vector<16xf32> to vector<1x16xf32>
          tpu.vector_store %arg15[%swap3A_88, %swap3A_89], %swap3A_92 {strides = array<i32>} : memref<128x128xf32, #tpu.memory_space<vmem>>, vector<1x16xf32>,
          %get3A_93 = arith.index_cast %scan3A_66 : i32 to index
          %get3A_94 = arith.constant 32 : index
          %get3A_95 = tpu.vector_load %arg15[%get3A_93, %get3A_94] {strides = array<i32>} : memref<128x128xf32, #tpu.memory_space<vmem>>, vector<1x16xf32>,
          %get3A_96 = vector.shape_cast %get3A_95 : vector<1x16xf32> to vector<16xf32>
          %get3A_97 = arith.index_cast %scan3A_66 : i32 to index
          %get3A_98 = arith.constant 32 : index
          %get3A_99 = tpu.vector_load %arg16[%get3A_97, %get3A_98] {strides = array<i32>} : memref<128x128xf32, #tpu.memory_space<vmem>>, vector<1x16xf32>,
          %get3A_100 = vector.shape_cast %get3A_99 : vector<1x16xf32> to vector<16xf32>
          %mul3A_101 = arith.mulf %get3A_96, %get3A_100 : vector<16xf32>
          %swap3A_102 = arith.index_cast %scan3A_66 : i32 to index
          %swap3A_103 = arith.constant 32 : index
          %swap3A_104 = tpu.vector_load %arg15[%swap3A_102, %swap3A_103] {strides = array<i32>} : memref<128x128xf32, #tpu.memory_space<vmem>>, vector<1x16xf32>,
          %swap3A_105 = vector.shape_cast %swap3A_104 : vector<1x16xf32> to vector<16xf32>
          %swap3A_106 = vector.shape_cast %mul3A_101 : vector<16xf32> to vector<1x16xf32>
          tpu.vector_store %arg15[%swap3A_102, %swap3A_103], %swap3A_106 {strides = array<i32>} : memref<128x128xf32, #tpu.memory_space<vmem>>, vector<1x16xf32>,
          %get3A_107 = arith.index_cast %scan3A_66 : i32 to index
          %get3A_108 = arith.constant 48 : index
          %get3A_109 = tpu.vector_load %arg15[%get3A_107, %get3A_108] {strides = array<i32>} : memref<128x128xf32, #tpu.memory_space<vmem>>, vector<1x16xf32>,
          %get3A_110 = vector.shape_cast %get3A_109 : vector<1x16xf32> to vector<16xf32>
          %get3A_111 = arith.index_cast %scan3A_66 : i32 to index
          %get3A_112 = arith.constant 48 : index
          %get3A_113 = tpu.vector_load %arg16[%get3A_111, %get3A_112] {strides = array<i32>} : memref<128x128xf32, #tpu.memory_space<vmem>>, vector<1x16xf32>,
          %get3A_114 = vector.shape_cast %get3A_113 : vector<1x16xf32> to vector<16xf32>
          %mul3A_115 = arith.mulf %get3A_110, %get3A_114 : vector<16xf32>
          %swap3A_116 = arith.index_cast %scan3A_66 : i32 to index
          %swap3A_117 = arith.constant 48 : index
          %swap3A_118 = tpu.vector_load %arg15[%swap3A_116, %swap3A_117] {strides = array<i32>} : memref<128x128xf32, #tpu.memory_space<vmem>>, vector<1x16xf32>,
          %swap3A_119 = vector.shape_cast %swap3A_118 : vector<1x16xf32> to vector<16xf32>
          %swap3A_120 = vector.shape_cast %mul3A_115 : vector<16xf32> to vector<1x16xf32>
          tpu.vector_store %arg15[%swap3A_116, %swap3A_117], %swap3A_120 {strides = array<i32>} : memref<128x128xf32, #tpu.memory_space<vmem>>, vector<1x16xf32>,
          %get3A_121 = arith.index_cast %scan3A_66 : i32 to index
          %get3A_122 = arith.constant 64 : index
          %get3A_123 = tpu.vector_load %arg15[%get3A_121, %get3A_122] {strides = array<i32>} : memref<128x128xf32, #tpu.memory_space<vmem>>, vector<1x16xf32>,
          %get3A_124 = vector.shape_cast %get3A_123 : vector<1x16xf32> to vector<16xf32>
          %get3A_125 = arith.index_cast %scan3A_66 : i32 to index
          %get3A_126 = arith.constant 64 : index
          %get3A_127 = tpu.vector_load %arg16[%get3A_125, %get3A_126] {strides = array<i32>} : memref<128x128xf32, #tpu.memory_space<vmem>>, vector<1x16xf32>,
          %get3A_128 = vector.shape_cast %get3A_127 : vector<1x16xf32> to vector<16xf32>
          %mul3A_129 = arith.mulf %get3A_124, %get3A_128 : vector<16xf32>
          %swap3A_130 = arith.index_cast %scan3A_66 : i32 to index
          %swap3A_131 = arith.constant 64 : index
          %swap3A_132 = tpu.vector_load %arg15[%swap3A_130, %swap3A_131] {strides = array<i32>} : memref<128x128xf32, #tpu.memory_space<vmem>>, vector<1x16xf32>,
          %swap3A_133 = vector.shape_cast %swap3A_132 : vector<1x16xf32> to vector<16xf32>
          %swap3A_134 = vector.shape_cast %mul3A_129 : vector<16xf32> to vector<1x16xf32>
          tpu.vector_store %arg15[%swap3A_130, %swap3A_131], %swap3A_134 {strides = array<i32>} : memref<128x128xf32, #tpu.memory_space<vmem>>, vector<1x16xf32>,
          %get3A_135 = arith.index_cast %scan3A_66 : i32 to index
          %get3A_136 = arith.constant 80 : index
          %get3A_137 = tpu.vector_load %arg15[%get3A_135, %get3A_136] {strides = array<i32>} : memref<128x128xf32, #tpu.memory_space<vmem>>, vector<1x16xf32>,
          %get3A_138 = vector.shape_cast %get3A_137 : vector<1x16xf32> to vector<16xf32>
          %get3A_139 = arith.index_cast %scan3A_66 : i32 to index
          %get3A_140 = arith.constant 80 : index
          %get3A_141 = tpu.vector_load %arg16[%get3A_139, %get3A_140] {strides = array<i32>} : memref<128x128xf32, #tpu.memory_space<vmem>>, vector<1x16xf32>,
          %get3A_142 = vector.shape_cast %get3A_141 : vector<1x16xf32> to vector<16xf32>
          %mul3A_143 = arith.mulf %get3A_138, %get3A_142 : vector<16xf32>
          %swap3A_144 = arith.index_cast %scan3A_66 : i32 to index
          %swap3A_145 = arith.constant 80 : index
          %swap3A_146 = tpu.vector_load %arg15[%swap3A_144, %swap3A_145] {strides = array<i32>} : memref<128x128xf32, #tpu.memory_space<vmem>>, vector<1x16xf32>,
          %swap3A_147 = vector.shape_cast %swap3A_146 : vector<1x16xf32> to vector<16xf32>
          %swap3A_148 = vector.shape_cast %mul3A_143 : vector<16xf32> to vector<1x16xf32>
          tpu.vector_store %arg15[%swap3A_144, %swap3A_145], %swap3A_148 {strides = array<i32>} : memref<128x128xf32, #tpu.memory_space<vmem>>, vector<1x16xf32>,
          %get3A_149 = arith.index_cast %scan3A_66 : i32 to index
          %get3A_150 = arith.constant 96 : index
          %get3A_151 = tpu.vector_load %arg15[%get3A_149, %get3A_150] {strides = array<i32>} : memref<128x128xf32, #tpu.memory_space<vmem>>, vector<1x16xf32>,
          %get3A_152 = vector.shape_cast %get3A_151 : vector<1x16xf32> to vector<16xf32>
          %get3A_153 = arith.index_cast %scan3A_66 : i32 to index
          %get3A_154 = arith.constant 96 : index
          %get3A_155 = tpu.vector_load %arg16[%get3A_153, %get3A_154] {strides = array<i32>} : memref<128x128xf32, #tpu.memory_space<vmem>>, vector<1x16xf32>,
          %get3A_156 = vector.shape_cast %get3A_155 : vector<1x16xf32> to vector<16xf32>
          %mul3A_157 = arith.mulf %get3A_152, %get3A_156 : vector<16xf32>
          %swap3A_158 = arith.index_cast %scan3A_66 : i32 to index
          %swap3A_159 = arith.constant 96 : index
          %swap3A_160 = tpu.vector_load %arg15[%swap3A_158, %swap3A_159] {strides = array<i32>} : memref<128x128xf32, #tpu.memory_space<vmem>>, vector<1x16xf32>,
          %swap3A_161 = vector.shape_cast %swap3A_160 : vector<1x16xf32> to vector<16xf32>
          %swap3A_162 = vector.shape_cast %mul3A_157 : vector<16xf32> to vector<1x16xf32>
          tpu.vector_store %arg15[%swap3A_158, %swap3A_159], %swap3A_162 {strides = array<i32>} : memref<128x128xf32, #tpu.memory_space<vmem>>, vector<1x16xf32>,
          %get3A_163 = arith.index_cast %scan3A_66 : i32 to index
          %get3A_164 = arith.constant 112 : index
          %get3A_165 = tpu.vector_load %arg15[%get3A_163, %get3A_164] {strides = array<i32>} : memref<128x128xf32, #tpu.memory_space<vmem>>, vector<1x16xf32>,
          %get3A_166 = vector.shape_cast %get3A_165 : vector<1x16xf32> to vector<16xf32>
          %get3A_167 = arith.index_cast %scan3A_66 : i32 to index
          %get3A_168 = arith.constant 112 : index
          %get3A_169 = tpu.vector_load %arg16[%get3A_167, %get3A_168] {strides = array<i32>} : memref<128x128xf32, #tpu.memory_space<vmem>>, vector<1x16xf32>,
          %get3A_170 = vector.shape_cast %get3A_169 : vector<1x16xf32> to vector<16xf32>
          %mul3A_171 = arith.mulf %get3A_166, %get3A_170 : vector<16xf32>
          %swap3A_172 = arith.index_cast %scan3A_66 : i32 to index
          %swap3A_173 = arith.constant 112 : index
          %swap3A_174 = tpu.vector_load %arg15[%swap3A_172, %swap3A_173] {strides = array<i32>} : memref<128x128xf32, #tpu.memory_space<vmem>>, vector<1x16xf32>,
          %swap3A_175 = vector.shape_cast %swap3A_174 : vector<1x16xf32> to vector<16xf32>
          %swap3A_176 = vector.shape_cast %mul3A_171 : vector<16xf32> to vector<1x16xf32>
          tpu.vector_store %arg15[%swap3A_172, %swap3A_173], %swap3A_176 {strides = array<i32>} : memref<128x128xf32, #tpu.memory_space<vmem>>, vector<1x16xf32>,
        }
        %scan3A_65 = arith.constant 128 : i32
        "tpu.region"() ({
          %run_scoped3A = tpu.sem_alloc : memref<!tpu.dma_semaphore, #tpu.memory_space<semaphore_mem>>
          %dma_start3A_66 = arith.constant 0 : i32
          %dma_start3A_67 = tpu.memref_slice %arg14[%scan3A_37, %dma_start3A_66] : memref<16x128xi32, #tpu.memory_space<vmem>> -> memref<1x128xi32, #tpu.memory_space<vmem>>
          %dma_start3A_68 = tpu.memref_squeeze %dma_start3A_67 : memref<1x128xi32, #tpu.memory_space<vmem>> -> memref<128xi32, #tpu.memory_space<vmem>>
          %dma_start3A_69 = arith.constant 0 : i32
          %dma_start3A_70 = arith.constant 0 : i32
          %dma_start3A_71 = tpu.memref_slice %arg18[%dma_start3A_69, %dma_start3A_70] : memref<5008x128xf32, #tpu.memory_space<vmem_shared>> -> memref<5008x128xf32, #tpu.memory_space<vmem_shared>>
          tpu.enqueue_indirect_dma source(%arg15 : memref<128x128xf32, #tpu.memory_space<vmem>>) target(%dma_start3A_71 : memref<5008x128xf32, #tpu.memory_space<vmem_shared>>) offsets(%dma_start3A_68 : memref<128xi32, #tpu.memory_space<vmem>>) semaphore(%run_scoped3A : memref<!tpu.dma_semaphore, #tpu.memory_space<semaphore_mem>>) {add = true}
          %dma_wait3A_72 = arith.constant 0 : i32
          %dma_wait3A_73 = tpu.memref_slice %arg14[%scan3A_37, %dma_wait3A_72] : memref<16x128xi32, #tpu.memory_space<vmem>> -> memref<1x128xi32, #tpu.memory_space<vmem>>
          %dma_wait3A_74 = tpu.memref_squeeze %dma_wait3A_73 : memref<1x128xi32, #tpu.memory_space<vmem>> -> memref<128xi32, #tpu.memory_space<vmem>>
          %dma_wait3A_75 = arith.constant 0 : i32
          %dma_wait3A_76 = arith.constant 0 : i32
          %dma_wait3A_77 = tpu.memref_slice %arg18[%dma_wait3A_75, %dma_wait3A_76] : memref<5008x128xf32, #tpu.memory_space<vmem_shared>> -> memref<5008x128xf32, #tpu.memory_space<vmem_shared>>
          tpu.wait_indirect_dma semaphore(%run_scoped3A : memref<!tpu.dma_semaphore, #tpu.memory_space<semaphore_mem>>) src(%arg15 : memref<128x128xf32, #tpu.memory_space<vmem>>) dst(%dma_wait3A_77 : memref<5008x128xf32, #tpu.memory_space<vmem_shared>>)
          tpu.yield
        }) : () -> ()
        "tpu.region"() ({
          %run_scoped3A = tpu.sem_alloc : memref<!tpu.dma_semaphore, #tpu.memory_space<semaphore_mem>>
          %dma_start3A_66 = arith.constant 0 : i32
          %dma_start3A_67 = tpu.memref_slice %arg14[%scan3A_37, %dma_start3A_66] : memref<16x128xi32, #tpu.memory_space<vmem>> -> memref<1x128xi32, #tpu.memory_space<vmem>>
          %dma_start3A_68 = tpu.memref_squeeze %dma_start3A_67 : memref<1x128xi32, #tpu.memory_space<vmem>> -> memref<128xi32, #tpu.memory_space<vmem>>
          %dma_start3A_69 = arith.constant 0 : i32
          %dma_start3A_70 = tpu.memref_slice %arg19[%dma_start3A_69] : memref<5008xf32, #tpu.memory_space<vmem_shared>> -> memref<5008xf32, #tpu.memory_space<vmem_shared>>
          tpu.enqueue_indirect_dma source(%arg17 : memref<128xf32, #tpu.memory_space<vmem>>) target(%dma_start3A_70 : memref<5008xf32, #tpu.memory_space<vmem_shared>>) offsets(%dma_start3A_68 : memref<128xi32, #tpu.memory_space<vmem>>) semaphore(%run_scoped3A : memref<!tpu.dma_semaphore, #tpu.memory_space<semaphore_mem>>) {add = true}
          %dma_wait3A_71 = arith.constant 0 : i32
          %dma_wait3A_72 = tpu.memref_slice %arg14[%scan3A_37, %dma_wait3A_71] : memref<16x128xi32, #tpu.memory_space<vmem>> -> memref<1x128xi32, #tpu.memory_space<vmem>>
          %dma_wait3A_73 = tpu.memref_squeeze %dma_wait3A_72 : memref<1x128xi32, #tpu.memory_space<vmem>> -> memref<128xi32, #tpu.memory_space<vmem>>
          %dma_wait3A_74 = arith.constant 0 : i32
          %dma_wait3A_75 = tpu.memref_slice %arg19[%dma_wait3A_74] : memref<5008xf32, #tpu.memory_space<vmem_shared>> -> memref<5008xf32, #tpu.memory_space<vmem_shared>>
          tpu.wait_indirect_dma semaphore(%run_scoped3A : memref<!tpu.dma_semaphore, #tpu.memory_space<semaphore_mem>>) src(%arg17 : memref<128xf32, #tpu.memory_space<vmem>>) dst(%dma_wait3A_75 : memref<5008xf32, #tpu.memory_space<vmem_shared>>)
          tpu.yield
        }) : () -> ()
      }
      %scan3A_36 = arith.constant 16 : i32
    }
    %scan3A_16 = arith.constant 10 : i32
    %barrier3A_17 = arith.constant 0 : index
    tpu.barrier barrier_id(%barrier3A_17)
    %lt3A_18 = arith.constant 5 : i32
    %lt3A_19 = arith.cmpi slt, %arg1, %lt3A_18 : i32
    %convert_element_type3A_20 = arith.extui %lt3A_19 : i1 to i32
    %cond3A_21 = arith.constant 0 : i32
    %cond3A_22 = arith.cmpi ne, %convert_element_type3A_20, %cond3A_21 : i32
    scf.if %cond3A_22 {
      %mul3A_28 = arith.constant 1000 : i32
      %mul3A_29 = arith.muli %arg1, %mul3A_28 : i32
      "tpu.region"() ({
        %run_scoped3A = tpu.sem_alloc : memref<!tpu.dma_semaphore, #tpu.memory_space<semaphore_mem>>
        %dma_start3A = arith.constant 0 : i32
        %dma_start3A_30 = tpu.memref_slice %arg10[%arg0, %mul3A_29, %dma_start3A] : memref<2x5000x128xf32, #tpu.memory_space<hbm>> -> memref<1x1000x128xf32, #tpu.memory_space<hbm>>
        %dma_start3A_31 = tpu.memref_squeeze %dma_start3A_30 : memref<1x1000x128xf32, #tpu.memory_space<hbm>> -> memref<1000x128xf32, #tpu.memory_space<hbm>>
        %dma_start3A_32 = arith.constant 0 : i32
        %dma_start3A_33 = tpu.memref_slice %arg18[%mul3A_29, %dma_start3A_32] : memref<5008x128xf32, #tpu.memory_space<vmem_shared>> -> memref<1000x128xf32, #tpu.memory_space<vmem_shared>>
        tpu.enqueue_dma source(%dma_start3A_33 : memref<1000x128xf32, #tpu.memory_space<vmem_shared>>) target(%dma_start3A_31 : memref<1000x128xf32, #tpu.memory_space<hbm>>) target_semaphore(%run_scoped3A : memref<!tpu.dma_semaphore, #tpu.memory_space<semaphore_mem>>)
        %dma_wait3A = arith.constant 0 : i32
        %dma_wait3A_34 = tpu.memref_slice %arg10[%arg0, %mul3A_29, %dma_wait3A] : memref<2x5000x128xf32, #tpu.memory_space<hbm>> -> memref<1x1000x128xf32, #tpu.memory_space<hbm>>
        %dma_wait3A_35 = tpu.memref_squeeze %dma_wait3A_34 : memref<1x1000x128xf32, #tpu.memory_space<hbm>> -> memref<1000x128xf32, #tpu.memory_space<hbm>>
        %dma_wait3A_36 = arith.constant 0 : i32
        %dma_wait3A_37 = tpu.memref_slice %arg18[%mul3A_29, %dma_wait3A_36] : memref<5008x128xf32, #tpu.memory_space<vmem_shared>> -> memref<1000x128xf32, #tpu.memory_space<vmem_shared>>
        tpu.wait_dma2 semaphore(%run_scoped3A : memref<!tpu.dma_semaphore, #tpu.memory_space<semaphore_mem>>) src(%dma_wait3A_37 : memref<1000x128xf32, #tpu.memory_space<vmem_shared>>) dst(%dma_wait3A_35 : memref<1000x128xf32, #tpu.memory_space<hbm>>)
        tpu.yield
      }) : () -> ()
    } else {
    }
    %eq3A_23 = arith.constant 5 : i32
    %eq3A_24 = arith.cmpi eq, %arg1, %eq3A_23 : i32
    %convert_element_type3A_25 = arith.extui %eq3A_24 : i1 to i32
    %cond3A_26 = arith.constant 0 : i32
    %cond3A_27 = arith.cmpi ne, %convert_element_type3A_25, %cond3A_26 : i32
    scf.if %cond3A_27 {
      "tpu.region"() ({
        %run_scoped3A = tpu.sem_alloc : memref<!tpu.dma_semaphore, #tpu.memory_space<semaphore_mem>>
        %dma_start3A = arith.constant 0 : i32
        %dma_start3A_28 = tpu.memref_slice %arg11[%arg0, %dma_start3A] : memref<2x5008xf32, #tpu.memory_space<hbm>> -> memref<1x5008xf32, #tpu.memory_space<hbm>>
        %dma_start3A_29 = tpu.memref_squeeze %dma_start3A_28 : memref<1x5008xf32, #tpu.memory_space<hbm>> -> memref<5008xf32, #tpu.memory_space<hbm>>
        tpu.enqueue_dma source(%arg19 : memref<5008xf32, #tpu.memory_space<vmem_shared>>) target(%dma_start3A_29 : memref<5008xf32, #tpu.memory_space<hbm>>) target_semaphore(%run_scoped3A : memref<!tpu.dma_semaphore, #tpu.memory_space<semaphore_mem>>)
        %dma_wait3A = arith.constant 0 : i32
        %dma_wait3A_30 = tpu.memref_slice %arg11[%arg0, %dma_wait3A] : memref<2x5008xf32, #tpu.memory_space<hbm>> -> memref<1x5008xf32, #tpu.memory_space<hbm>>
        %dma_wait3A_31 = tpu.memref_squeeze %dma_wait3A_30 : memref<1x5008xf32, #tpu.memory_space<hbm>> -> memref<5008xf32, #tpu.memory_space<hbm>>
        tpu.wait_dma2 semaphore(%run_scoped3A : memref<!tpu.dma_semaphore, #tpu.memory_space<semaphore_mem>>) src(%arg19 : memref<5008xf32, #tpu.memory_space<vmem_shared>>) dst(%dma_wait3A_31 : memref<5008xf32, #tpu.memory_space<hbm>>)
        tpu.yield
      }) : () -> ()
    } else {
    }
    return
  }
}

module attributes {stable_mosaic.version = 14 : i64} {
  func.func @_rel_body(%arg0: memref<200x128xf32, #tpu.memory_space<vmem>>, %arg1: memref<128x128xf32, #tpu.memory_space<vmem>>, %arg2: memref<128x128xf32, #tpu.memory_space<vmem>>, %arg3: memref<200x128xf32, #tpu.memory_space<vmem>>, %arg4: memref<200x128xf32, #tpu.memory_space<vmem>>) attributes {dimension_semantics = [], scalar_prefetch = 0 : i64, scratch_operands = 0 : i64, tpu.core_type = #tpu.core_type<tc>} {
    %get3A = arith.constant 0 : index
    %get3A_0 = arith.constant 0 : index
    %get3A_1 = vector.load %arg0[%get3A, %get3A_0] : memref<200x128xf32, #tpu.memory_space<vmem>>, vector<200x128xf32>
    %get3A_2 = arith.constant 0 : index
    %get3A_3 = arith.constant 0 : index
    %get3A_4 = vector.load %arg1[%get3A_2, %get3A_3] : memref<128x128xf32, #tpu.memory_space<vmem>>, vector<128x128xf32>
    %dot_general3A = arith.constant dense<0.000000e+00> : vector<200x128xf32>
    %dot_general3A_5 = tpu.matmul %get3A_1, %get3A_4, %dot_general3A {dimension_numbers = #tpu.dot_dimension_numbers<[1], [0], [0], [1], [0, 0, 1, 1], [], []>, transpose_lhs_hint = false} : vector<200x128xf32>, vector<128x128xf32>, vector<200x128xf32> -> vector<200x128xf32>
    %swap3A = arith.constant 0 : index
    %swap3A_6 = arith.constant 0 : index
    %swap3A_7 = vector.load %arg3[%swap3A, %swap3A_6] : memref<200x128xf32, #tpu.memory_space<vmem>>, vector<200x128xf32>
    tpu.vector_store %arg3[%swap3A, %swap3A_6], %dot_general3A_5 {strides = array<i32>} : memref<200x128xf32, #tpu.memory_space<vmem>>, vector<200x128xf32>,
    %get3A_8 = arith.constant 0 : index
    %get3A_9 = arith.constant 0 : index
    %get3A_10 = vector.load %arg2[%get3A_8, %get3A_9] : memref<128x128xf32, #tpu.memory_space<vmem>>, vector<128x128xf32>
    %dot_general3A_11 = arith.constant dense<0.000000e+00> : vector<200x128xf32>
    %dot_general3A_12 = tpu.matmul %dot_general3A_5, %get3A_10, %dot_general3A_11 {dimension_numbers = #tpu.dot_dimension_numbers<[1], [0], [0], [1], [0, 0, 1, 1], [], []>, transpose_lhs_hint = false} : vector<200x128xf32>, vector<128x128xf32>, vector<200x128xf32> -> vector<200x128xf32>
    %swap3A_13 = arith.constant 0 : index
    %swap3A_14 = arith.constant 0 : index
    %swap3A_15 = vector.load %arg4[%swap3A_13, %swap3A_14] : memref<200x128xf32, #tpu.memory_space<vmem>>, vector<200x128xf32>
    tpu.vector_store %arg4[%swap3A_13, %swap3A_14], %dot_general3A_12 {strides = array<i32>} : memref<200x128xf32, #tpu.memory_space<vmem>>, vector<200x128xf32>,
    return
  }
}

module attributes {stable_mosaic.version = 14 : i64} {
  func.func @_dense_body(%arg0: i32, %arg1: memref<1x1000x128xf32, #tpu.memory_space<vmem>>, %arg2: memref<1x1000x1xf32, #tpu.memory_space<vmem>>, %arg3: memref<1000x128xf32, #tpu.memory_space<vmem>>, %arg4: memref<128x128xf32, #tpu.memory_space<vmem>>, %arg5: memref<128x128xf32, #tpu.memory_space<vmem>>, %arg6: memref<1x128xf32, #tpu.memory_space<vmem>>, %arg7: memref<1000x128xf32, #tpu.memory_space<vmem>>) attributes {dimension_semantics = [#tpu.dimension_semantics<arbitrary>], iteration_bounds = array<i64: 10>, scalar_prefetch = 0 : i64, scratch_operands = 0 : i64, tpu.core_type = #tpu.core_type<tc>, window_params = [{transform_indices = @transform_0, window_bounds = array<i64: 1, 1000, 128>}, {transform_indices = @transform_1, window_bounds = array<i64: 1, 1000, 1>}, {transform_indices = @transform_2, window_bounds = array<i64: 1000, 128>}, {pipeline_mode = #tpu.pipeline_mode<synchronous>, transform_indices = @transform_3, window_bounds = array<i64: 128, 128>}, {pipeline_mode = #tpu.pipeline_mode<synchronous>, transform_indices = @transform_4, window_bounds = array<i64: 128, 128>}, {pipeline_mode = #tpu.pipeline_mode<synchronous>, transform_indices = @transform_5, window_bounds = array<i64: 1, 128>}, {transform_indices = @transform_6, window_bounds = array<i64: 1000, 128>}]} {
    %get3A = arith.constant 0 : index
    %get3A_0 = arith.constant 0 : index
    %get3A_1 = arith.constant 0 : index
    %get3A_2 = vector.load %arg1[%get3A, %get3A_0, %get3A_1] : memref<1x1000x128xf32, #tpu.memory_space<vmem>>, vector<1x1000x128xf32>
    %get3A_3 = vector.shape_cast %get3A_2 : vector<1x1000x128xf32> to vector<1000x128xf32>
    %get3A_4 = arith.constant 0 : index
    %get3A_5 = arith.constant 0 : index
    %get3A_6 = arith.constant 0 : index
    %get3A_7 = vector.load %arg2[%get3A_4, %get3A_5, %get3A_6] : memref<1x1000x1xf32, #tpu.memory_space<vmem>>, vector<1x1000x1xf32>
    %get3A_8 = vector.shape_cast %get3A_7 : vector<1x1000x1xf32> to vector<1000x1xf32>
    %max3A = arith.constant 1.000000e+00 : f32
    %max3A_9 = vector.broadcast %max3A : f32 to vector<1000x1xf32>
    %max3A_10 = arith.maximumf %get3A_8, %max3A_9 : vector<1000x1xf32>
    %div3A = vector.broadcast %max3A_10 : vector<1000x1xf32> to vector<1000x128xf32>
    %div3A_11 = arith.divf %get3A_3, %div3A : vector<1000x128xf32>
    %get3A_12 = arith.constant 0 : index
    %get3A_13 = arith.constant 0 : index
    %get3A_14 = vector.load %arg4[%get3A_12, %get3A_13] : memref<128x128xf32, #tpu.memory_space<vmem>>, vector<128x128xf32>
    %dot_general3A = arith.constant dense<0.000000e+00> : vector<1000x128xf32>
    %dot_general3A_15 = tpu.matmul %div3A_11, %get3A_14, %dot_general3A {dimension_numbers = #tpu.dot_dimension_numbers<[1], [0], [0], [1], [0, 0, 1, 1], [], []>, transpose_lhs_hint = false} : vector<1000x128xf32>, vector<128x128xf32>, vector<1000x128xf32> -> vector<1000x128xf32>
    %get3A_16 = arith.constant 0 : index
    %get3A_17 = arith.constant 0 : index
    %get3A_18 = vector.load %arg3[%get3A_16, %get3A_17] : memref<1000x128xf32, #tpu.memory_space<vmem>>, vector<1000x128xf32>
    %get3A_19 = arith.constant 0 : index
    %get3A_20 = arith.constant 0 : index
    %get3A_21 = vector.load %arg5[%get3A_19, %get3A_20] : memref<128x128xf32, #tpu.memory_space<vmem>>, vector<128x128xf32>
    %dot_general3A_22 = arith.constant dense<0.000000e+00> : vector<1000x128xf32>
    %dot_general3A_23 = tpu.matmul %get3A_18, %get3A_21, %dot_general3A_22 {dimension_numbers = #tpu.dot_dimension_numbers<[1], [0], [0], [1], [0, 0, 1, 1], [], []>, transpose_lhs_hint = false} : vector<1000x128xf32>, vector<128x128xf32>, vector<1000x128xf32> -> vector<1000x128xf32>
    %add3A = arith.addf %dot_general3A_15, %dot_general3A_23 : vector<1000x128xf32>
    %get3A_24 = arith.constant 0 : index
    %get3A_25 = arith.constant 0 : index
    %get3A_26 = vector.load %arg6[%get3A_24, %get3A_25] : memref<1x128xf32, #tpu.memory_space<vmem>>, vector<1x128xf32>
    %add3A_27 = vector.broadcast %get3A_26 : vector<1x128xf32> to vector<1000x128xf32>
    %add3A_28 = arith.addf %add3A, %add3A_27 : vector<1000x128xf32>
    %tanh3A = math.tanh %add3A_28 : vector<1000x128xf32>
    %swap3A = arith.constant 0 : index
    %swap3A_29 = arith.constant 0 : index
    %swap3A_30 = vector.load %arg7[%swap3A, %swap3A_29] : memref<1000x128xf32, #tpu.memory_space<vmem>>, vector<1000x128xf32>
    tpu.vector_store %arg7[%swap3A, %swap3A_29], %tanh3A {strides = array<i32>} : memref<1000x128xf32, #tpu.memory_space<vmem>>, vector<1000x128xf32>,
    return
  }
  func.func @transform_0(%arg0: i32) -> (i32, i32, i32) {
    %jit3A = arith.constant 5 : i32
    %div3A = arith.divsi %arg0, %jit3A : i32
    %sign3A = arith.constant 0 : i32
    %sign3A_0 = arith.cmpi sgt, %arg0, %sign3A : i32
    %sign3A_1 = arith.extui %sign3A_0 : i1 to i32
    %sign3A_2 = arith.constant 0 : i32
    %sign3A_3 = arith.cmpi slt, %arg0, %sign3A_2 : i32
    %sign3A_4 = arith.extui %sign3A_3 : i1 to i32
    %sign3A_5 = arith.subi %sign3A_1, %sign3A_4 : i32
    %sign3A_6 = arith.constant 0 : i32
    %sign3A_7 = arith.cmpi sgt, %jit3A, %sign3A_6 : i32
    %sign3A_8 = arith.extui %sign3A_7 : i1 to i32
    %sign3A_9 = arith.constant 0 : i32
    %sign3A_10 = arith.cmpi slt, %jit3A, %sign3A_9 : i32
    %sign3A_11 = arith.extui %sign3A_10 : i1 to i32
    %sign3A_12 = arith.subi %sign3A_8, %sign3A_11 : i32
    %ne3A = arith.cmpi ne, %sign3A_5, %sign3A_12 : i32
    %rem3A = arith.remsi %arg0, %jit3A : i32
    %ne3A_13 = arith.constant 0 : i32
    %ne3A_14 = arith.cmpi ne, %rem3A, %ne3A_13 : i32
    %and3A = arith.andi %ne3A, %ne3A_14 : i1
    %sub3A = arith.constant 1 : i32
    %sub3A_15 = arith.subi %div3A, %sub3A : i32
    %select_n3A = arith.select %and3A, %sub3A_15, %div3A : i32
    %jit3A_16 = arith.constant 5 : i32
    %eq3A = arith.constant 0 : i32
    %eq3A_17 = arith.cmpi eq, %jit3A_16, %eq3A : i32
    %jit3A_18 = arith.constant 1 : i32
    %select_n3A_19 = arith.select %eq3A_17, %jit3A_18, %jit3A_16 : i32
    %rem3A_20 = arith.remsi %arg0, %select_n3A_19 : i32
    %ne3A_21 = arith.constant 0 : i32
    %ne3A_22 = arith.cmpi ne, %rem3A_20, %ne3A_21 : i32
    %lt3A = arith.constant 0 : i32
    %lt3A_23 = arith.cmpi slt, %rem3A_20, %lt3A : i32
    %lt3A_24 = arith.constant 0 : i32
    %lt3A_25 = arith.cmpi slt, %select_n3A_19, %lt3A_24 : i32
    %ne3A_26 = arith.xori %lt3A_23, %lt3A_25 : i1
    %and3A_27 = arith.andi %ne3A_26, %ne3A_22 : i1
    %add3A = arith.addi %rem3A_20, %select_n3A_19 : i32
    %select_n3A_28 = arith.select %and3A_27, %add3A, %rem3A_20 : i32
    %c0_i32 = arith.constant 0 : i32
    %c0_i32_29 = arith.constant 0 : i32
    return %select_n3A, %select_n3A_28, %c0_i32 : i32, i32, i32
  }
  func.func @transform_1(%arg0: i32) -> (i32, i32, i32) {
    %jit3A = arith.constant 5 : i32
    %div3A = arith.divsi %arg0, %jit3A : i32
    %sign3A = arith.constant 0 : i32
    %sign3A_0 = arith.cmpi sgt, %arg0, %sign3A : i32
    %sign3A_1 = arith.extui %sign3A_0 : i1 to i32
    %sign3A_2 = arith.constant 0 : i32
    %sign3A_3 = arith.cmpi slt, %arg0, %sign3A_2 : i32
    %sign3A_4 = arith.extui %sign3A_3 : i1 to i32
    %sign3A_5 = arith.subi %sign3A_1, %sign3A_4 : i32
    %sign3A_6 = arith.constant 0 : i32
    %sign3A_7 = arith.cmpi sgt, %jit3A, %sign3A_6 : i32
    %sign3A_8 = arith.extui %sign3A_7 : i1 to i32
    %sign3A_9 = arith.constant 0 : i32
    %sign3A_10 = arith.cmpi slt, %jit3A, %sign3A_9 : i32
    %sign3A_11 = arith.extui %sign3A_10 : i1 to i32
    %sign3A_12 = arith.subi %sign3A_8, %sign3A_11 : i32
    %ne3A = arith.cmpi ne, %sign3A_5, %sign3A_12 : i32
    %rem3A = arith.remsi %arg0, %jit3A : i32
    %ne3A_13 = arith.constant 0 : i32
    %ne3A_14 = arith.cmpi ne, %rem3A, %ne3A_13 : i32
    %and3A = arith.andi %ne3A, %ne3A_14 : i1
    %sub3A = arith.constant 1 : i32
    %sub3A_15 = arith.subi %div3A, %sub3A : i32
    %select_n3A = arith.select %and3A, %sub3A_15, %div3A : i32
    %jit3A_16 = arith.constant 5 : i32
    %eq3A = arith.constant 0 : i32
    %eq3A_17 = arith.cmpi eq, %jit3A_16, %eq3A : i32
    %jit3A_18 = arith.constant 1 : i32
    %select_n3A_19 = arith.select %eq3A_17, %jit3A_18, %jit3A_16 : i32
    %rem3A_20 = arith.remsi %arg0, %select_n3A_19 : i32
    %ne3A_21 = arith.constant 0 : i32
    %ne3A_22 = arith.cmpi ne, %rem3A_20, %ne3A_21 : i32
    %lt3A = arith.constant 0 : i32
    %lt3A_23 = arith.cmpi slt, %rem3A_20, %lt3A : i32
    %lt3A_24 = arith.constant 0 : i32
    %lt3A_25 = arith.cmpi slt, %select_n3A_19, %lt3A_24 : i32
    %ne3A_26 = arith.xori %lt3A_23, %lt3A_25 : i1
    %and3A_27 = arith.andi %ne3A_26, %ne3A_22 : i1
    %add3A = arith.addi %rem3A_20, %select_n3A_19 : i32
    %select_n3A_28 = arith.select %and3A_27, %add3A, %rem3A_20 : i32
    %c0_i32 = arith.constant 0 : i32
    %c0_i32_29 = arith.constant 0 : i32
    return %select_n3A, %select_n3A_28, %c0_i32 : i32, i32, i32
  }
  func.func @transform_2(%arg0: i32) -> (i32, i32) {
    %c0_i32 = arith.constant 0 : i32
    %c0_i32_0 = arith.constant 0 : i32
    return %arg0, %c0_i32 : i32, i32
  }
  func.func @transform_3(%arg0: i32) -> (i32, i32) {
    %c0_i32 = arith.constant 0 : i32
    %c0_i32_0 = arith.constant 0 : i32
    %c0_i32_1 = arith.constant 0 : i32
    return %c0_i32, %c0_i32_0 : i32, i32
  }
  func.func @transform_4(%arg0: i32) -> (i32, i32) {
    %c0_i32 = arith.constant 0 : i32
    %c0_i32_0 = arith.constant 0 : i32
    %c0_i32_1 = arith.constant 0 : i32
    return %c0_i32, %c0_i32_0 : i32, i32
  }
  func.func @transform_5(%arg0: i32) -> (i32, i32) {
    %c0_i32 = arith.constant 0 : i32
    %c0_i32_0 = arith.constant 0 : i32
    %c0_i32_1 = arith.constant 0 : i32
    return %c0_i32, %c0_i32_0 : i32, i32
  }
  func.func @transform_6(%arg0: i32) -> (i32, i32) {
    %c0_i32 = arith.constant 0 : i32
    %c0_i32_0 = arith.constant 0 : i32
    return %arg0, %c0_i32 : i32, i32
  }
}

module attributes {stable_mosaic.version = 14 : i64} {
  func.func @_dense_body(%arg0: i32, %arg1: memref<1x1000x128xf32, #tpu.memory_space<vmem>>, %arg2: memref<1x1000x1xf32, #tpu.memory_space<vmem>>, %arg3: memref<1000x128xf32, #tpu.memory_space<vmem>>, %arg4: memref<128x128xf32, #tpu.memory_space<vmem>>, %arg5: memref<128x128xf32, #tpu.memory_space<vmem>>, %arg6: memref<1x128xf32, #tpu.memory_space<vmem>>, %arg7: memref<1000x128xf32, #tpu.memory_space<vmem>>) attributes {dimension_semantics = [#tpu.dimension_semantics<arbitrary>], iteration_bounds = array<i64: 10>, scalar_prefetch = 0 : i64, scratch_operands = 0 : i64, tpu.core_type = #tpu.core_type<tc>, window_params = [{transform_indices = @transform_0, window_bounds = array<i64: 1, 1000, 128>}, {transform_indices = @transform_1, window_bounds = array<i64: 1, 1000, 1>}, {transform_indices = @transform_2, window_bounds = array<i64: 1000, 128>}, {pipeline_mode = #tpu.pipeline_mode<synchronous>, transform_indices = @transform_3, window_bounds = array<i64: 128, 128>}, {pipeline_mode = #tpu.pipeline_mode<synchronous>, transform_indices = @transform_4, window_bounds = array<i64: 128, 128>}, {pipeline_mode = #tpu.pipeline_mode<synchronous>, transform_indices = @transform_5, window_bounds = array<i64: 1, 128>}, {transform_indices = @transform_6, window_bounds = array<i64: 1000, 128>}]} {
    %get3A = arith.constant 0 : index
    %get3A_0 = arith.constant 0 : index
    %get3A_1 = arith.constant 0 : index
    %get3A_2 = vector.load %arg1[%get3A, %get3A_0, %get3A_1] : memref<1x1000x128xf32, #tpu.memory_space<vmem>>, vector<1x1000x128xf32>
    %get3A_3 = vector.shape_cast %get3A_2 : vector<1x1000x128xf32> to vector<1000x128xf32>
    %get3A_4 = arith.constant 0 : index
    %get3A_5 = arith.constant 0 : index
    %get3A_6 = arith.constant 0 : index
    %get3A_7 = vector.load %arg2[%get3A_4, %get3A_5, %get3A_6] : memref<1x1000x1xf32, #tpu.memory_space<vmem>>, vector<1x1000x1xf32>
    %get3A_8 = vector.shape_cast %get3A_7 : vector<1x1000x1xf32> to vector<1000x1xf32>
    %max3A = arith.constant 1.000000e+00 : f32
    %max3A_9 = vector.broadcast %max3A : f32 to vector<1000x1xf32>
    %max3A_10 = arith.maximumf %get3A_8, %max3A_9 : vector<1000x1xf32>
    %div3A = vector.broadcast %max3A_10 : vector<1000x1xf32> to vector<1000x128xf32>
    %div3A_11 = arith.divf %get3A_3, %div3A : vector<1000x128xf32>
    %get3A_12 = arith.constant 0 : index
    %get3A_13 = arith.constant 0 : index
    %get3A_14 = vector.load %arg4[%get3A_12, %get3A_13] : memref<128x128xf32, #tpu.memory_space<vmem>>, vector<128x128xf32>
    %dot_general3A = arith.constant dense<0.000000e+00> : vector<1000x128xf32>
    %dot_general3A_15 = tpu.matmul %div3A_11, %get3A_14, %dot_general3A {dimension_numbers = #tpu.dot_dimension_numbers<[1], [0], [0], [1], [0, 0, 1, 1], [], []>, transpose_lhs_hint = false} : vector<1000x128xf32>, vector<128x128xf32>, vector<1000x128xf32> -> vector<1000x128xf32>
    %get3A_16 = arith.constant 0 : index
    %get3A_17 = arith.constant 0 : index
    %get3A_18 = vector.load %arg3[%get3A_16, %get3A_17] : memref<1000x128xf32, #tpu.memory_space<vmem>>, vector<1000x128xf32>
    %get3A_19 = arith.constant 0 : index
    %get3A_20 = arith.constant 0 : index
    %get3A_21 = vector.load %arg5[%get3A_19, %get3A_20] : memref<128x128xf32, #tpu.memory_space<vmem>>, vector<128x128xf32>
    %dot_general3A_22 = arith.constant dense<0.000000e+00> : vector<1000x128xf32>
    %dot_general3A_23 = tpu.matmul %get3A_18, %get3A_21, %dot_general3A_22 {dimension_numbers = #tpu.dot_dimension_numbers<[1], [0], [0], [1], [0, 0, 1, 1], [], []>, transpose_lhs_hint = false} : vector<1000x128xf32>, vector<128x128xf32>, vector<1000x128xf32> -> vector<1000x128xf32>
    %add3A = arith.addf %dot_general3A_15, %dot_general3A_23 : vector<1000x128xf32>
    %get3A_24 = arith.constant 0 : index
    %get3A_25 = arith.constant 0 : index
    %get3A_26 = vector.load %arg6[%get3A_24, %get3A_25] : memref<1x128xf32, #tpu.memory_space<vmem>>, vector<1x128xf32>
    %add3A_27 = vector.broadcast %get3A_26 : vector<1x128xf32> to vector<1000x128xf32>
    %add3A_28 = arith.addf %add3A, %add3A_27 : vector<1000x128xf32>
    %tanh3A = math.tanh %add3A_28 : vector<1000x128xf32>
    %swap3A = arith.constant 0 : index
    %swap3A_29 = arith.constant 0 : index
    %swap3A_30 = vector.load %arg7[%swap3A, %swap3A_29] : memref<1000x128xf32, #tpu.memory_space<vmem>>, vector<1000x128xf32>
    tpu.vector_store %arg7[%swap3A, %swap3A_29], %tanh3A {strides = array<i32>} : memref<1000x128xf32, #tpu.memory_space<vmem>>, vector<1000x128xf32>,
    return
  }
  func.func @transform_0(%arg0: i32) -> (i32, i32, i32) {
    %jit3A = arith.constant 5 : i32
    %div3A = arith.divsi %arg0, %jit3A : i32
    %sign3A = arith.constant 0 : i32
    %sign3A_0 = arith.cmpi sgt, %arg0, %sign3A : i32
    %sign3A_1 = arith.extui %sign3A_0 : i1 to i32
    %sign3A_2 = arith.constant 0 : i32
    %sign3A_3 = arith.cmpi slt, %arg0, %sign3A_2 : i32
    %sign3A_4 = arith.extui %sign3A_3 : i1 to i32
    %sign3A_5 = arith.subi %sign3A_1, %sign3A_4 : i32
    %sign3A_6 = arith.constant 0 : i32
    %sign3A_7 = arith.cmpi sgt, %jit3A, %sign3A_6 : i32
    %sign3A_8 = arith.extui %sign3A_7 : i1 to i32
    %sign3A_9 = arith.constant 0 : i32
    %sign3A_10 = arith.cmpi slt, %jit3A, %sign3A_9 : i32
    %sign3A_11 = arith.extui %sign3A_10 : i1 to i32
    %sign3A_12 = arith.subi %sign3A_8, %sign3A_11 : i32
    %ne3A = arith.cmpi ne, %sign3A_5, %sign3A_12 : i32
    %rem3A = arith.remsi %arg0, %jit3A : i32
    %ne3A_13 = arith.constant 0 : i32
    %ne3A_14 = arith.cmpi ne, %rem3A, %ne3A_13 : i32
    %and3A = arith.andi %ne3A, %ne3A_14 : i1
    %sub3A = arith.constant 1 : i32
    %sub3A_15 = arith.subi %div3A, %sub3A : i32
    %select_n3A = arith.select %and3A, %sub3A_15, %div3A : i32
    %jit3A_16 = arith.constant 5 : i32
    %eq3A = arith.constant 0 : i32
    %eq3A_17 = arith.cmpi eq, %jit3A_16, %eq3A : i32
    %jit3A_18 = arith.constant 1 : i32
    %select_n3A_19 = arith.select %eq3A_17, %jit3A_18, %jit3A_16 : i32
    %rem3A_20 = arith.remsi %arg0, %select_n3A_19 : i32
    %ne3A_21 = arith.constant 0 : i32
    %ne3A_22 = arith.cmpi ne, %rem3A_20, %ne3A_21 : i32
    %lt3A = arith.constant 0 : i32
    %lt3A_23 = arith.cmpi slt, %rem3A_20, %lt3A : i32
    %lt3A_24 = arith.constant 0 : i32
    %lt3A_25 = arith.cmpi slt, %select_n3A_19, %lt3A_24 : i32
    %ne3A_26 = arith.xori %lt3A_23, %lt3A_25 : i1
    %and3A_27 = arith.andi %ne3A_26, %ne3A_22 : i1
    %add3A = arith.addi %rem3A_20, %select_n3A_19 : i32
    %select_n3A_28 = arith.select %and3A_27, %add3A, %rem3A_20 : i32
    %c0_i32 = arith.constant 0 : i32
    %c0_i32_29 = arith.constant 0 : i32
    return %select_n3A, %select_n3A_28, %c0_i32 : i32, i32, i32
  }
  func.func @transform_1(%arg0: i32) -> (i32, i32, i32) {
    %jit3A = arith.constant 5 : i32
    %div3A = arith.divsi %arg0, %jit3A : i32
    %sign3A = arith.constant 0 : i32
    %sign3A_0 = arith.cmpi sgt, %arg0, %sign3A : i32
    %sign3A_1 = arith.extui %sign3A_0 : i1 to i32
    %sign3A_2 = arith.constant 0 : i32
    %sign3A_3 = arith.cmpi slt, %arg0, %sign3A_2 : i32
    %sign3A_4 = arith.extui %sign3A_3 : i1 to i32
    %sign3A_5 = arith.subi %sign3A_1, %sign3A_4 : i32
    %sign3A_6 = arith.constant 0 : i32
    %sign3A_7 = arith.cmpi sgt, %jit3A, %sign3A_6 : i32
    %sign3A_8 = arith.extui %sign3A_7 : i1 to i32
    %sign3A_9 = arith.constant 0 : i32
    %sign3A_10 = arith.cmpi slt, %jit3A, %sign3A_9 : i32
    %sign3A_11 = arith.extui %sign3A_10 : i1 to i32
    %sign3A_12 = arith.subi %sign3A_8, %sign3A_11 : i32
    %ne3A = arith.cmpi ne, %sign3A_5, %sign3A_12 : i32
    %rem3A = arith.remsi %arg0, %jit3A : i32
    %ne3A_13 = arith.constant 0 : i32
    %ne3A_14 = arith.cmpi ne, %rem3A, %ne3A_13 : i32
    %and3A = arith.andi %ne3A, %ne3A_14 : i1
    %sub3A = arith.constant 1 : i32
    %sub3A_15 = arith.subi %div3A, %sub3A : i32
    %select_n3A = arith.select %and3A, %sub3A_15, %div3A : i32
    %jit3A_16 = arith.constant 5 : i32
    %eq3A = arith.constant 0 : i32
    %eq3A_17 = arith.cmpi eq, %jit3A_16, %eq3A : i32
    %jit3A_18 = arith.constant 1 : i32
    %select_n3A_19 = arith.select %eq3A_17, %jit3A_18, %jit3A_16 : i32
    %rem3A_20 = arith.remsi %arg0, %select_n3A_19 : i32
    %ne3A_21 = arith.constant 0 : i32
    %ne3A_22 = arith.cmpi ne, %rem3A_20, %ne3A_21 : i32
    %lt3A = arith.constant 0 : i32
    %lt3A_23 = arith.cmpi slt, %rem3A_20, %lt3A : i32
    %lt3A_24 = arith.constant 0 : i32
    %lt3A_25 = arith.cmpi slt, %select_n3A_19, %lt3A_24 : i32
    %ne3A_26 = arith.xori %lt3A_23, %lt3A_25 : i1
    %and3A_27 = arith.andi %ne3A_26, %ne3A_22 : i1
    %add3A = arith.addi %rem3A_20, %select_n3A_19 : i32
    %select_n3A_28 = arith.select %and3A_27, %add3A, %rem3A_20 : i32
    %c0_i32 = arith.constant 0 : i32
    %c0_i32_29 = arith.constant 0 : i32
    return %select_n3A, %select_n3A_28, %c0_i32 : i32, i32, i32
  }
  func.func @transform_2(%arg0: i32) -> (i32, i32) {
    %c0_i32 = arith.constant 0 : i32
    %c0_i32_0 = arith.constant 0 : i32
    return %arg0, %c0_i32 : i32, i32
  }
  func.func @transform_3(%arg0: i32) -> (i32, i32) {
    %c0_i32 = arith.constant 0 : i32
    %c0_i32_0 = arith.constant 0 : i32
    %c0_i32_1 = arith.constant 0 : i32
    return %c0_i32, %c0_i32_0 : i32, i32
  }
  func.func @transform_4(%arg0: i32) -> (i32, i32) {
    %c0_i32 = arith.constant 0 : i32
    %c0_i32_0 = arith.constant 0 : i32
    %c0_i32_1 = arith.constant 0 : i32
    return %c0_i32, %c0_i32_0 : i32, i32
  }
  func.func @transform_5(%arg0: i32) -> (i32, i32) {
    %c0_i32 = arith.constant 0 : i32
    %c0_i32_0 = arith.constant 0 : i32
    %c0_i32_1 = arith.constant 0 : i32
    return %c0_i32, %c0_i32_0 : i32, i32
  }
  func.func @transform_6(%arg0: i32) -> (i32, i32) {
    %c0_i32 = arith.constant 0 : i32
    %c0_i32_0 = arith.constant 0 : i32
    return %arg0, %c0_i32 : i32, i32
  }
}

</mosaic_0001>

<sc_bundles>
// kernel: kernel.11.cloned.1.call-start
scs
__scs_entry_jumppad:
0x0: {  	(pc) =	sbr.rel $0x88, $3  }
0x1: {  	(tag) =	ssettag $0x0;
	lr =	simm.s32 $0x1  }
0x2: {  	[smem:$0x3F93] =	sst lr;
	_ =	strace $0xD0000000  }
0x3: {  	_ = 	snop  }
0x4: {  	_ = 	snop  }
0x5: {  	_ = 	snop  }
0x6: {  	_ = 	snop  }
0x7: {  	_ = 	snop  }
__scs_overlays_trampoline_lowered:
0x8: {  	[smem:$0x3FA2] =	sst s0  }
0x9: {  	[smem:$0x3FA3] =	sst s1  }
0xa: {  	[smem:$0x3FA4] =	sst s2  }
0xb: {  	[smem:$0x3FA5] =	sst s3  }
0xc: {  	[smem:$0x3FA6] =	sst s4  }
0xd: {  	[smem:$0x3FA7] =	sst s5  }
0xe: {  	[smem:$0x3FA8] =	sst s6  }
0xf: {  	[smem:$0x3FA9] =	sst s7  }
0x10: {  	[smem:$0x3FAA] =	sst s8  }
0x11: {  	[smem:$0x3FAB] =	sst s9;
	s0 =	simm.s32 @!p0 $0x0  }
0x12: {  	s1 =	sld [smem:$0x3F91];
	s0 =	simm.s32 @p0 $0x1  }
0x13: {  	[smem:$0x3FAC] =	sst s0;
	s0 =	simm.s32 @!p1 $0x0  }
0x14: {  	s2 =	sld [smem:$0x3F90];
	s0 =	simm.s32 @p1 $0x1  }
0x15: {  	[smem:$0x3FAD] =	sst s0;
	s0 =	simm.s32 @!p2 $0x0  }
0x16: {  	s3 =	sld [smem:$0x3FDB];
	s0 =	simm.s32 @p2 $0x1  }
0x17: {  	s4 =	simm.s32 $0x1BF5;
	[smem:$0x3FAF] =	sst s0  }
0x18: {  	s0 =	sld [smem:$0x3F92];
	_ =	swait.ge [sflag:s4], $0x0  }
0x19: {  	s7 =	sld [smem:$0x3F93]  }
0x1a: {  	s8 =	sadd.s32 $0xFFFFE003, lr  }
0x1b: {  	s9 =	sadd.s32 $0xFFFFFEF7, lr;
	s5 =	simm.s32 $0xFFFFFFFF;
	p2 =	slt.u32 s8, $0xFFFFF086  }
0x1c: {  	p1 =	slt.u32 s9, $0xF7A;
	s5 =	simm.s32 @!p2 $0x0  }
0x1d: {  	s5 =	simm.s32 @p1 $0x1;
	p0 =	seq.s32 s7, s2  }
0x1e: {  	s7 =	smul.u32 @!p0 $0xF7A, s2;
	p2 =	seq.s32 @!p0 s5, $0x0  }
0x1f: {  	s9 =	smul.u32 $0xF7A, s1;
	s8 =	simm.s32 @!p0 $0x1BF5;
	p2 =	por !p2, p0  }
0x20: {  	[sflag:s8] =	ssyncset.s32 @!p0 $0xFFFFF086;
	s6 =	sadd.s32 @!p0 s3, s7;
	s7 =	simm.s32 @!p0 $0x108  }
0x21: {  	s3 =	sadd.s32 s3, s9;
	s6 =	sadd.s32 @!p0 $0x88, s6;
	s7 =	simm.s32 @p2 $0x1082  }
0x22: {  	[simem:s7], [sflag:s8] =	dma.local @!p0 [hbm:s6], $0xF7A  }
0x23: {  	s9 =	sor.u32 $0xD0000000, s2;
	s6 =	simm.s32 $0x108;
	_ =	swait.ge @!p0 [sflag:s8], $0x0  }
0x24: {  	s3 =	sadd.s32 $0x88, s3;
	s6 =	simm.s32 @!p1 $0x1082;
	[sflag:s4] =	ssyncset.s32 $0xFFFFF086  }
0x25: {  	[simem:s6], [sflag:s4] =	dma.local [hbm:s3], $0xF7A  }
0x26: {  	[smem:$0x3F93] =	sst s1;
	(tag) =	ssettag s2;
	_ =	strace s9  }
0x27: {  	s1 =	sld [smem:$0x3FA3]  }
0x28: {  	s2 =	sld [smem:$0x3FA4]  }
0x29: {  	s4 =	sld [smem:$0x3FA6]  }
0x2a: {  	p0 =	seq.s32 s5, $0x0;
	s5 =	sld [smem:$0x3FA7]  }
0x2b: {  	s6 =	sld [smem:$0x3FA8]  }
0x2c: {  	s7 =	sld [smem:$0x3FA9]  }
0x2d: {  	s3 =	simm.s32 $0x108;
	s8 =	sld [smem:$0x3FAA]  }
0x2e: {  	s3 =	simm.s32 @!p0 $0x1082;
	s9 =	sld [smem:$0x3FAB]  }
0x2f: {  	lr =	sadd.s32 s0, s3;
	s0 =	sld [smem:$0x3FA2]  }
0x30: {  	s3 =	sld [smem:$0x3FA5]  }
0x31: {  	[smem:$0x3FAE] =	sst s10  }
0x32: {  	s10 =	sld [smem:$0x3FAC];
	_ =	sdelay $0x3  }
0x33: {  	p0 =	seq.s32 s10, $0x1;
	s10 =	sld [smem:$0x3FAE];
	_ =	sdelay $0x3  }
0x34: {  	[smem:$0x3FAE] =	sst s10  }
0x35: {  	s10 =	sld [smem:$0x3FAD];
	_ =	sdelay $0x3  }
0x36: {  	p1 =	seq.s32 s10, $0x1;
	s10 =	sld [smem:$0x3FAE];
	_ =	sdelay $0x3  }
0x37: {  	[smem:$0x3FAE] =	sst s10  }
0x38: {  	s10 =	sld [smem:$0x3FAF]  }
0x39: {  	_ = 	snop;
	(pc) =	sbr.ind lr, $3  }
0x3a: {  	_ = 	snop  }
0x3b: {  	_ = 	snop  }
0x3c: {  	p2 =	seq.s32 s10, $0x1;
	s10 =	sld [smem:$0x3FAE]  }
0x3d: {  	_ =	shalt  }
0x3e: {  	_ =	shalt  }
0x3f: {  	_ =	shalt  }
0x40: {  	_ =	shalt  }
0x41: {  	_ =	shalt  }
0x42: {  	_ =	shalt  }
0x43: {  	_ =	shalt  }
0x44: {  	_ =	shalt  }
0x45: {  	_ =	shalt  }
0x46: {  	_ =	shalt  }
0x47: {  	_ =	shalt  }
0x48: {  	_ =	shalt  }
0x49: {  	_ =	shalt  }
0x4a: {  	_ =	shalt  }
0x4b: {  	_ =	shalt  }
0x4c: {  	_ =	shalt  }
0x4d: {  	_ =	shalt  }
0x4e: {  	_ =	shalt  }
0x4f: {  	_ =	shalt  }
0x50: {  	_ =	shalt  }
0x51: {  	_ =	shalt  }
0x52: {  	_ =	shalt  }
0x53: {  	_ =	shalt  }
0x54: {  	_ =	shalt  }
0x55: {  	_ =	shalt  }
0x56: {  	_ =	shalt  }
0x57: {  	_ =	shalt  }
0x58: {  	_ =	shalt  }
0x59: {  	_ =	shalt  }
0x5a: {  	_ =	shalt  }
0x5b: {  	_ =	shalt  }
0x5c: {  	_ =	shalt  }
0x5d: {  	_ =	shalt  }
0x5e: {  	_ =	shalt  }
0x5f: {  	_ =	shalt  }
0x60: {  	_ =	shalt  }
0x61: {  	_ =	shalt  }
0x62: {  	_ =	shalt  }
0x63: {  	_ =	shalt  }
0x64: {  	_ =	shalt  }
0x65: {  	_ =	shalt  }
0x66: {  	_ =	shalt  }
0x67: {  	_ =	shalt  }
0x68: {  	_ =	shalt  }
0x69: {  	_ =	shalt  }
0x6a: {  	_ =	shalt  }
0x6b: {  	_ =	shalt  }
0x6c: {  	_ =	shalt  }
0x6d: {  	_ =	shalt  }
0x6e: {  	_ =	shalt  }
0x6f: {  	_ =	shalt  }
0x70: {  	_ =	shalt  }
0x71: {  	_ =	shalt  }
0x72: {  	_ =	shalt  }
0x73: {  	_ =	shalt  }
0x74: {  	_ =	shalt  }
0x75: {  	_ =	shalt  }
0x76: {  	_ =	shalt  }
0x77: {  	_ =	shalt  }
0x78: {  	_ =	shalt  }
0x79: {  	_ =	shalt  }
0x7a: {  	_ =	shalt  }
0x7b: {  	_ =	shalt  }
0x7c: {  	_ =	shalt  }
0x7d: {  	_ =	shalt  }
0x7e: {  	_ =	shalt  }
0x7f: {  	_ =	shalt  }
0x80: {  	_ =	shalt  }
0x81: {  	_ =	shalt  }
0x82: {  	_ =	shalt  }
0x83: {  	_ =	shalt  }
0x84: {  	_ =	shalt  }
0x85: {  	_ =	shalt  }
0x86: {  	_ =	shalt  }
0x87: {  	_ =	shalt  }
.Lfunc_end0:
.L_simem_size_0:
called_computation.1_lowered:
.L_overlay_start_0:
0x88: {  	s2 =	sld [smem:$0x3FD9]  }
0x89: {  	s3 =	sld [smem:$0x3FFE];
	_ =	sdelay $0x1  }
0x8a: {  	s1 =	srdreg.scid  }
0x8b: {  	s0 =	sand.u32 $0x1, s1  }
0x8c: {  	s14 =	sshll.u32 s0, $0xA;
	s2 =	sadd.s32 s3, s2  }
0x8d: {  	s2 =	sadd.s32 s2, s14  }
0x8e: {  	[smem:$0x3FBA] =	sst s2  }
0x8f: {  	_ = 	snop  }
0x90: {  	s2 =	sld [smem:$0x3FD0];
	_ =	sdelay $0x2  }
0x91: {  	s15 =	simm.s32 $0xA;
	s4 =	simm.s32 $0x10  }
0x92: {  	[smem:s4], [sflag:s15] =	dma.local [hbm:s2], $0x1  }
0x93: {  	_ =	swait.eq [sflag:s15], $0x1  }
0x94: {  	s16 =	sld [smem:$0x10];
	[sflag:s15] =	ssyncset.done $0x0  }
0x95: {  	s17 =	sld [smem:$0x11];
	[sflag:s15] =	ssyncadd.s32 $0xFFFFFFFF  }
0x96: {  	s18 =	sld [smem:$0x12];
	(tm) =	ssettm $0x1  }
0x97: {  	s5 =	sld [smem:$0x3FFB];
	_ =	sdelay $0x3  }
0x98: {  	_ =	strace s5  }
0x99: {  	s5 =	sld [smem:$0x3FFC];
	_ =	sdelay $0x3  }
0x9a: {  	_ =	strace s5  }
0x9b: {  	s5 =	sld [smem:$0x3FFD];
	_ =	sdelay $0x3  }
0x9c: {  	_ =	strace s5  }
0x9d: {  	_ =	strace $0x8FFFFFFF  }
0x9e: {  	s19 =	sld [smem:$0x3FDB];
	_ =	sdelay $0x1  }
0x9f: {  	s6 =	simm.s32 $_scs_section_size  }
0xa0: {  	s7 =	simm.s32 $_size__tile_overlayer_lowered;
	s8 =	simm.s32 $_tile_overlayer_lowered  }
0xa1: {  	s22 =	simm.s32 $0x1BFF;
	s21 =	sshll.u32 s8, $0x1;
	s5 =	sadd.s32 s6, s19  }
0xa2: {  	s9 =	simm.s32 $0x0;
	s20 =	sshll.u32 s7, $0x1;
	s7 =	sadd.s32 s21, s5  }
0xa3: {  	[timem:s9], [sflag:s22] =	dma.local [hbm:s7], s20  }
0xa4: {  	_ =	swait.ge [sflag:s22], s20  }
0xa5: {  	s6 =	ssub.s32 $0x0, s20;
	[sflag:s22] =	ssyncset.done $0x0  }
0xa6: {  	[sflag:s22] =	ssyncadd.s32 s6;
	_ =	sdelay $0x1  }
0xa7: {  	s23 =	simm.s32 $0x1B8B  }
0xa8: {  	_ =	swait.ge [sflag:s23], $0x1  }
0xa9: {  	[sflag:s23] =	ssyncset.done $0x0  }
0xaa: {  	s25 =	simm.s32 $0x1B8E;
	s24 =	sld [smem:$0x3FFE];
	[sflag:s23] =	ssyncadd.s32 $0xFFFFFFFF  }
0xab: {  	s26 =	simm.s32 $execute0_lowered;
	[smem:$0x3FD2] =	sst s25  }
0xac: {  	s7 =	sshll.u32 s26, $0x1;
	_ =	strace $0x80000049;
	[dreg:$0x1] =	wrdreg $0xFFFFFFFF  }
0xad: {  	s28 =	simm.s32 $_size_execute0_lowered;
	s5 =	sadd.s32 s5, s7;
	[dreg:$0x0] =	wrdreg $0x0  }
0xae: {  	s7 =	sshll.u32 s28, $0x1;
	[dreg:$0x2] =	wrdreg s5  }
0xaf: {  	[dreg:$0x3] =	wrdreg s7  }
0xb0: {  	[dreg:$0x4] =	wrdreg $0xC0  }
0xb1: {  	_ =	task [dreg:s9], $0x5FFFF  }
0xb2: {  	[dreg:$0x1] =	wrdreg $0xFFFFFFFF  }
0xb3: {  	[dreg:$0x0] =	wrdreg $0x60  }
0xb4: {  	[dreg:$0x2] =	wrdreg s24  }
0xb5: {  	[dreg:$0x3] =	wrdreg s18  }
0xb6: {  	[dreg:$0x4] =	wrdreg s16  }
0xb7: {  	[dreg:$0x5] =	wrdreg s17  }
0xb8: {  	[dreg:$0x6] =	wrdreg $0x98800  }
0xb9: {  	[dreg:$0x7] =	wrdreg $0x136400  }
0xba: {  	[dreg:$0x8] =	wrdreg $0x135000  }
0xbb: {  	[dreg:$0x9] =	wrdreg $0x9  }
0xbc: {  	_ =	task.clear_ibuf [dreg:s9], $0xAFFFF;
	_ =	strace $0x90000049  }
0xbd: {  	s29 =	simm.s32 $0x9;
	_ =	strace $0x8000004B  }
0xbe: {  	_ =	swait.ge [sflag:s29], $0x1  }
0xbf: {  	[sflag:s29] =	ssyncadd.s32 $0xFFFFFFFF  }
0xc0: {  	_ =	strace $0x9000004B  }
0xc1: {  	_ =	sfence  }
0xc2: {  	s30 =	sld [smem:$0x0];
	_ =	sdelay $0x2  }
0xc3: {  	s31 =	sshll.u32 s1, $0xD;
	s1 =	sshrl.u32 s1, $0x2  }
0xc4: {  	s3 =	sand.u32 $0x4000, s31;
	s1 =	sadd.s32 s1, s30  }
0xc5: {  	s0 =	sor.u32 s3, s0;
	s1 =	sshll.u32 s1, $0x11  }
0xc6: {  	s0 =	sor.u32 s1, s0  }
0xc7: {  	s0 =	sadd.s32 $0x8F2B, s0  }
0xc8: {  	[sflag:s0] =	ssyncadd.remote.s32 $0x1  }
0xc9: {  	_ =	sfence.sel $0xFFFF  }
0xca: {  	[dreg:$0x0] =	wrdreg $0xFFFFFFFF;
	(pc) =	sbr.abs _section_cstart, $3  }
0xcb: {  	[dreg:$0x1] =	wrdreg $0xFFFFFFFF  }
0xcc: {  	_ =	task.clear_ibuf [dreg:s9], $0x2FFFF;
	_ =	strace $0x9FFFFFFF  }
0xcd: {  	(tm) =	ssettm $0x7FFFFFFF  }
tec
execute0_lowered:
.L_overlay_start_1:
0x0: {  	(tag) =	ssettag $0x1  }
0x1: {  	s1 =	rddreg [dreg:$0x0]  }
0x2: {  	s0 =	rddreg [dreg:$0x1]  }
0x3: {  	s4 =	rddreg [dreg:$0x4]  }
0x4: {  	s5 =	rddreg [dreg:$0x5]  }
0x5: {  	s6 =	rddreg [dreg:$0x6];
	s2 =	srdreg.scid;
	s7 =	simm.s32 $0x0  }
0x6: {  	s16 =	stileid.u32;
	s28 =	simm.s32 $0x80;
	s29 =	simm.s32 $0x1800  }
0x7: {  	s30 =	simm.s32 $0x5800;
	s31 =	simm.s32 $0x1;
	s2 =	sand.u32 $0x1, s2  }
0x8: {  	[smem:$0x7FF] =	sst s7;
	s21 =	smul.u32 $0x1F400, s16;
	s9 =	sadd.s32 $0xE200, s1  }
0x9: {  	s10 =	sadd.s32 $0x18200, s1;
	s11 =	sadd.s32 $0x4200, s1;
	s22 =	sadd.s32 $0x2C400, s1  }
0xa: {  	s23 =	sadd.s32 $0x2C200, s1;
	s13 =	smul.u32 $0x7D000, s16;
	p0 =	sgt.u32 s16, $0x4  }
0xb: {  	s14 =	smul.u32 $0x5000, s16;
	_ =	strace $0x8000004A;
	[dreg:$0x8] =	wrdreg s22  }
0xc: {  	s3 =	smul.u32 $0x9C400, s2;
	[dreg:$0x9] =	wrdreg s23;
	s24 =	ssub.s32 $0x2, s2  }
0xd: {  	s8 =	sshll.u32 s2, $0x4;
	p3 =	seq.s32 @p0 s16, $0x6;
	s15 =	smul.u32 $0x50000, s2  }
0xe: {  	s23 =	simm.s32 $0x9800;
	s2 =	simm.s32 $0x0;
	s12 =	sshrl.u32 s24, $0x1  }
0xf: {  	s25 =	sshrl.u32 s13, $0x2;
	p1 =	por p3, !p0;
	s3 =	sadd.s32 s21, s3  }
0x10: {  	s7 =	ssub.s32 s24, s12;
	p4 =	sne.s32 @!p1 s16, $0x5;
	p1 =	por !p3, !p0  }
0x11: {  	s24 =	simm.s32 $0x3;
	s3 =	sshrl.u32 s3, $0x3;
	s18 =	smax.u32 s7, $0x1  }
0x12: {  	p2 =	por @p0 p4, p3;
	s19 =	sshrl.u32 @!p1 s5, $0x3;
	p3 =	por @p0 !p4, p3  }
0x13: {  	s3 =	sadd.s32 s3, s1;
	s1 =	sadd.s32 s8, s1;
	s8 =	sadd.s32 s25, s4  }
0x14: {  	p2 =	por p2, !p0;
	p3 =	por !p3, !p0;
	s25 =	simm.s32 $0x800  }
0x15: {  	s26 =	sadd.s32 $0x2DC00, s3;
	s17 =	sadd.s32 $0x2C800, s1;
	s20 =	sshrl.u32 @!p2 s6, $0x3  }
0x16: {  	s1 =	sshll.u32 @!p0 s16, $0x6;
	s22 =	sshrl.u32 @!p0 s8, $0x3;
	[dreg:$0xa] =	wrdreg s26  }
0x17: {  	s21 =	sor.u32 @!p0 $0x1C03, s1;
	s26 =	simm.s32 $0x1000;
	s1 =	simm.s32 $0x2  }
.LBB2_1:
0x18: {  	s3 =	simm.s32 @!p1 $0x1D83;
	s7 =	rddreg [dreg:$0x2]  }
0x19: {  	[spmem:s19], [sflag:s3] =	dma.local @!p1 [hbm:s7], $0xC80  }
0x1a: {  	s3 =	simm.s32 @!p1 $0x3  }
0x1b: {  	_ =	swait.ge @!p1 [sflag:s3], $0xC80  }
0x1c: {  	[sflag:s3] =	ssyncset.done @!p1 $0x0  }
0x1d: {  	s7 =	rddreg [dreg:$0x8];
	[sflag:s3] =	ssyncadd.s32 @!p1 $0xFFFFF380;
	s3 =	simm.s32 @!p2 $0x1D43  }
0x1e: {  	[spmem:s20], [sflag:s3] =	dma.local @!p2 [hbm:s7], $0x280  }
0x1f: {  	s3 =	simm.s32 @!p2 $0x3  }
0x20: {  	_ =	swait.ge @!p2 [sflag:s3], $0x280  }
0x21: {  	[sflag:s3] =	ssyncset.done @!p2 $0x0  }
0x22: {  	[sflag:s3] =	ssyncadd.s32 @!p2 $0xFFFFFD80  }
0x23: {  	s3 =	rddreg [dreg:$0x3]  }
0x24: {  	[spmem:s22], [sflag:s21] =	dma.local @!p0 [hbm:s3], $0x3E80  }
0x25: {  	s3 =	simm.s32 @!p0 $0x3  }
0x26: {  	_ =	swait.ge @!p0 [sflag:s3], $0x3E80  }
0x27: {  	[sflag:s3] =	ssyncset.done @!p0 $0x0  }
0x28: {  	s13 =	simm.s32 $0x0;
	s16 =	rddreg [dreg:$0x9];
	[sflag:s3] =	ssyncadd.s32 @!p0 $0xFFFFC180  }
0x29: {  	[tilespmem:s23], [sflag:$0x3] =	stream.linear.gather [hbm4b:s16+s13], $0x80, $0x38;
	[tilespmem:$0x13C80] =	vst v63  }
0x2a: {  	p4 =	por @p0 $0x0, $0x0;
	p5 =	por @!p2 $0x1, $0x1;
	_ =	swait.ge [sflag:s24], $0x80  }
0x2b: {  	p6 =	por @!p1 $0x0, $0x0;
	p4 =	por @!p3 p5, p5;
	[sflag:s24] =	ssyncset.done $0x0  }
0x2c: {  	p5 =	por @!p0 $0x0, $0x0;
	p4 =	por @!p1 p6, p6;
	[sflag:s24] =	ssyncadd.s32 $0xFFFFFF80  }
0x2d: {  	p4 =	por @!p0 p5, p5;
	s3 =	simm.s32 $0x0;
	[bflag:$0x0] =	sbarrier.arrive $0xFFFF  }
.LBB2_2:
0x2e: {  	s7 =	sshll.u32 s3, $0xB  }
0x2f: {  	s7 =	sadd.s32 s14, s7  }
0x30: {  	s12 =	sshrl.u32 s7, $0x3  }
0x31: {  	s8 =	simm.s32 $0x0;
	s13 =	sadd.s32 s9, s12  }
0x32: {  	[tilespmem:s8], [sflag:$0x3] =	stream.linear.gather [hbm4b:s13+s8], $0x800, $0x38;
	[tilespmem:$0x13C80] =	vst v63  }
0x33: {  	_ =	swait.ge [sflag:s24], $0x800  }
0x34: {  	[sflag:s24] =	ssyncset.done $0x0  }
0x35: {  	s12 =	sadd.s32 s11, s12;
	[sflag:s24] =	ssyncadd.s32 $0xFFFFF800  }
0x36: {  	[tilespmem:s25], [sflag:$0x3] =	stream.linear.gather [hbm4b:s12+s8], $0x800, $0x38;
	[tilespmem:$0x13C80] =	vst v63  }
0x37: {  	s7 =	sadd.s32 s15, s7;
	_ =	swait.ge [sflag:s24], $0x800  }
0x38: {  	s7 =	sshrl.u32 s7, $0x3;
	[sflag:s24] =	ssyncset.done $0x0  }
0x39: {  	s7 =	sadd.s32 s10, s7;
	[sflag:s24] =	ssyncadd.s32 $0xFFFFF800  }
0x3a: {  	[tilespmem:s26], [sflag:$0x3] =	stream.linear.gather [hbm4b:s7+s8], $0x800, $0x38;
	[tilespmem:$0x13C80] =	vst v63  }
0x3b: {  	_ =	swait.ge [sflag:s24], $0x800  }
0x3c: {  	[sflag:s24] =	ssyncset.done $0x0  }
0x3d: {  	[sflag:s24] =	ssyncadd.s32 $0xFFFFF800  }
.LBB2_3:
0x3e: {  	s7 =	sshll.u32 s8, $0x7  }
0x3f: {  	[tilespmem:s29], [sflag:$0x1] =	stream.indirect.gather [hbm4b:s0+s28], $0x80, s7, s28, $0xb8;
	[tilespmem:$0x13C80] =	vst v63  }
0x40: {  	s12 =	sadd.s32 $0x800, s7  }
0x41: {  	[tilespmem:s30], [sflag:$0x2] =	stream.indirect.gather [spmem:s5], $0x80, s12, s28, $0xb8;
	[tilespmem:$0x13C80] =	vst v63  }
0x42: {  	_ =	swait.ge [sflag:s31], $0x4000  }
0x43: {  	[sflag:s31] =	ssyncset.done $0x0  }
0x44: {  	[sflag:s31] =	ssyncadd.s32 $0xFFFFC000  }
0x45: {  	_ =	swait.ge [sflag:s1], $0x4000  }
0x46: {  	[sflag:s1] =	ssyncset.done $0x0  }
0x47: {  	s12 =	simm.s32 $0x0;
	[sflag:s1] =	ssyncadd.s32 $0xFFFFC000  }
0x48: {  	v7 =	vld [tilespmem:s12+$0x5800]  }
0x49: {  	v11 =	vld [tilespmem:s12+$0x5810]  }
0x4a: {  	v5 =	vld [tilespmem:s12+$0x5820]  }
0x4b: {  	v4 =	vld [tilespmem:s12+$0x5830]  }
0x4c: {  	v3 =	vld [tilespmem:s12+$0x5840]  }
0x4d: {  	v2 =	vld [tilespmem:s12+$0x5850]  }
0x4e: {  	v1 =	vld [tilespmem:s12+$0x5860]  }
0x4f: {  	v0 =	vld [tilespmem:s12+$0x5870]  }
0x50: {  	v12 =	vld [tilespmem:s12+$0x1800]  }
0x51: {  	v13 =	vld [tilespmem:s12+$0x1810]  }
0x52: {  	v10 =	vld [tilespmem:s12+$0x1820]  }
0x53: {  	v9 =	vld [tilespmem:s12+$0x1830]  }
0x54: {  	v8 =	vld [tilespmem:s12+$0x1840]  }
0x55: {  	v6 =	vld [tilespmem:s12+$0x1850];
	v12 =	vmul.f32 v7, v12  }
0x56: {  	s13 =	simm.s32 $0x200;
	v11 =	vmul.f32 v11, v13;
	v7 =	vld [tilespmem:s12+$0x1860]  }
.LBB2_4:
0x57: {  	s16 =	sshra.s32 s13, $0x2;
	p5 =	sne.s32 s13, $0xFE00;
	[tilespmem:s12+$0x1800] =	vst v12;
	v5 =	vmul.f32 v5, v10;
	v10 =	vld [tilespmem:s12+$0x1870]  }
0x58: {  	v12 =	vld [tilespmem:s16+$0x5800];
	[tilespmem:s12+$0x1810] =	vst v11;
	v4 =	vmul.f32 v4, v9  }
0x59: {  	v11 =	vld [tilespmem:s16+$0x5810];
	[tilespmem:s12+$0x1820] =	vst v5;
	v3 =	vmul.f32 v3, v8  }
0x5a: {  	v5 =	vld [tilespmem:s16+$0x5820];
	[tilespmem:s12+$0x1830] =	vst v4;
	v2 =	vmul.f32 v2, v6  }
0x5b: {  	v4 =	vld [tilespmem:s16+$0x5830];
	[tilespmem:s12+$0x1840] =	vst v3;
	v1 =	vmul.f32 v1, v7  }
0x5c: {  	v3 =	vld [tilespmem:s16+$0x5840];
	[tilespmem:s12+$0x1850] =	vst v2;
	v0 =	vmul.f32 v0, v10  }
0x5d: {  	v2 =	vld [tilespmem:s16+$0x5850];
	[tilespmem:s12+$0x1860] =	vst v1  }
0x5e: {  	v1 =	vld [tilespmem:s16+$0x5860];
	[tilespmem:s12+$0x1870] =	vst v0;
	s12 =	smov.u32 s16  }
0x5f: {  	v0 =	vld [tilespmem:s12+$0x5870]  }
0x60: {  	v6 =	vld [tilespmem:s12+$0x1800]  }
0x61: {  	v7 =	vld [tilespmem:s12+$0x1810]  }
.Ltmp0:
0x62: {  	v10 =	vld [tilespmem:s12+$0x1820];
	(pc) =	sbr.rel @p5 .LBB2_4-.Ltmp0, $4  }
0x63: {  	v9 =	vld [tilespmem:s12+$0x1830]  }
0x64: {  	v8 =	vld [tilespmem:s12+$0x1840]  }
0x65: {  	v12 =	vmul.f32 v12, v6;
	v6 =	vld [tilespmem:s12+$0x1850]  }
0x66: {  	s13 =	sadd.s32 $0x200, s13;
	v11 =	vmul.f32 v11, v7;
	v7 =	vld [tilespmem:s12+$0x1860]  }
0x67: {  	[tilespmem:s12+$0x1800] =	vst v12;
	v5 =	vmul.f32 v5, v10;
	v63 =	vld [tilespmem:s12+$0x1870]  }
0x68: {  	[tilespmem:s12+$0x1810] =	vst v11;
	v4 =	vmul.f32 v4, v9  }
0x69: {  	[tilespmem:s12+$0x1820] =	vst v5;
	v3 =	vmul.f32 v3, v8  }
0x6a: {  	[tilespmem:s12+$0x1830] =	vst v4;
	v2 =	vmul.f32 v2, v6  }
0x6b: {  	[tilespmem:s12+$0x1840] =	vst v3;
	v1 =	vmul.f32 v1, v7  }
0x6c: {  	[tilespmem:s12+$0x1850] =	vst v2;
	v0 =	vmul.f32 v0, v63  }
0x6d: {  	[tilespmem:s12+$0x1860] =	vst v1  }
0x6e: {  	s7 =	sadd.s32 $0x1000, s7;
	[tilespmem:s12+$0x1870] =	vst v0  }
0x6f: {  	[spmem:s4] =	stream.indirect.scatter.add.f32 [tilespmem:s29], [sflag:$0x3], $0x80, s7, s28, $0xb8;
	[tilespmem:$0x13C80] =	vst v63  }
0x70: {  	s8 =	sadd.s32 $0x1, s8;
	_ =	swait.ge [sflag:s24], $0x4000  }
0x71: {  	p5 =	sne.s32 s8, $0x10;
	[sflag:s24] =	ssyncset.done $0x0  }
.Ltmp1:
0x72: {  	[sflag:s24] =	ssyncadd.s32 $0xFFFFC000;
	(pc) =	sbr.rel @p5 .LBB2_3-.Ltmp1, $4  }
0x73: {  	[spmem:s6] =	stream.indirect.scatter.add.f32 [tilespmem:s23], [sflag:$0x3], $0x1, s7, s28, $0xb8;
	[tilespmem:$0x13C80] =	vst v63  }
0x74: {  	_ =	swait.ge [sflag:s24], $0x80  }
0x75: {  	[sflag:s24] =	ssyncset.done $0x0  }
0x76: {  	[sflag:s24] =	ssyncadd.s32 $0xFFFFFF80  }
0x77: {  	s3 =	sadd.s32 $0x1, s3  }
0x78: {  	p5 =	sne.s32 s3, $0xA  }
.Ltmp2:
0x79: {  	_ = 	snop;
	(pc) =	sbr.rel @p5 .LBB2_2-.Ltmp2, $1  }
0x7a: {  	_ =	sdelay $0x3  }
0x7b: {  	[bflag:$0x0] =	sbarrier.arrive $0xFFFF  }
0x7c: {  	s7 =	stileid.u32;
	s3 =	rddreg [dreg:$0xa]  }
0x7d: {  	[hbm:s3], [sflag:s21] =	dma.local @!p0 [spmem:s22], $0x3E80  }
0x7e: {  	s8 =	simm.s32 @p4 $0x1;
	s12 =	simm.s32 @p4 $0x20;
	s3 =	simm.s32 @!p0 $0x3  }
0x7f: {  	s13 =	simm.s32 @p4 $0x10;
	s2 =	sadd.s32 $0x1, s2;
	_ =	swait.ge @!p0 [sflag:s3], $0x3E80  }
0x80: {  	s7 =	sshll.u32 @p4 s7, $0x6;
	p5 =	sne.s32 s2, s18;
	[sflag:s3] =	ssyncset.done @!p0 $0x0  }
0x81: {  	[sflag:s3] =	ssyncadd.s32 @!p0 $0xFFFFC180;
	s3 =	sor.u32 @p4 $0x1C03, s7;
	s7 =	sshrl.u32 @p4 s6, $0x3  }
0x82: {  	[hbm:s17@s12], [sflag:s3] =	dma.strided @p4 [spmem:s7@s13], $0x280, s8, $0x10   }
.Ltmp3:
0x83: {  	_ = 	snop;
	(pc) =	sbr.rel @p5 .LBB2_1-.Ltmp3, $4  }
0x84: {  	s3 =	simm.s32 @p4 $0x3  }
0x85: {  	_ =	swait.ge @p4 [sflag:s3], $0x280  }
0x86: {  	[sflag:s3] =	ssyncset.done @p4 $0x0  }
0x87: {  	[sflag:s3] =	ssyncadd.s32 @p4 $0xFFFFFD80  }
0x88: {  	_ =	sfence.sel $0x180000  }
0x89: {  	[bflag:$0x0] =	sbarrier.arrive $0xFFFF  }
0x8a: {  	_ =	strace $0x9000004A  }
0x8b: {  	s0 =	stileid.u32;
	[bflag:$0x2] =	sbarrier.arrive $0xFFFF  }
0x8c: {  	p0 =	sne.s32 s0, $0x0;
	s0 =	rddreg [dreg:$0x7]  }
0x8d: {  	s0 =	sadd.s32 @!p0 $0x100000, s0  }
0x8e: {  	[sflag:s0] =	ssyncadd.tile.s32 @!p0 $0x1;
	_ =	shalt  }
.Lfunc_end2:
_tile_overlayer_lowered:
.L_overlay_start_2:
0x8f: {  	(tag) =	ssettag $0x2  }
0x90: {  	s0 =	rddreg [dreg:$0x0];
	s2 =	stileid.u32  }
0x91: {  	s1 =	rddreg [dreg:$0x1];
	p0 =	sne.s32 s2, $0x0  }
0x92: {  	s3 =	rddreg [dreg:$0x2];
	[bflag:$0x3] =	sbarrier.arrive $0xFFFF;
	s2 =	simm.s32 @!p0 $0x1C03  }
0x93: {  	[timem:s3], [sflag:s2] =	dma.local @!p0 [hbm:s0], s1  }
0x94: {  	s0 =	simm.s32 @!p0 $0x3  }
0x95: {  	_ =	swait.ge @!p0 [sflag:s0], s1  }
0x96: {  	s1 =	ssub.s32 @!p0 $0x0, s1;
	[sflag:s0] =	ssyncset.done @!p0 $0x0  }
0x97: {  	[sflag:s0] =	ssyncadd.s32 @!p0 s1  }
0x98: {  	[bflag:$0x3] =	sbarrier.arrive $0xFFFF  }
0x99: {  	_ =	shalt  }

// kernel: kernel.14.cloned.1.call-start
scs
__scs_entry_jumppad:
0x0: {  	(pc) =	sbr.rel $0x88, $3  }
0x1: {  	(tag) =	ssettag $0x0;
	lr =	simm.s32 $0x1  }
0x2: {  	[smem:$0x3F93] =	sst lr;
	_ =	strace $0xD0000000  }
0x3: {  	_ = 	snop  }
0x4: {  	_ = 	snop  }
0x5: {  	_ = 	snop  }
0x6: {  	_ = 	snop  }
0x7: {  	_ = 	snop  }
__scs_overlays_trampoline_lowered:
0x8: {  	[smem:$0x3FA2] =	sst s0  }
0x9: {  	[smem:$0x3FA3] =	sst s1  }
0xa: {  	[smem:$0x3FA4] =	sst s2  }
0xb: {  	[smem:$0x3FA5] =	sst s3  }
0xc: {  	[smem:$0x3FA6] =	sst s4  }
0xd: {  	[smem:$0x3FA7] =	sst s5  }
0xe: {  	[smem:$0x3FA8] =	sst s6  }
0xf: {  	[smem:$0x3FA9] =	sst s7  }
0x10: {  	[smem:$0x3FAA] =	sst s8  }
0x11: {  	[smem:$0x3FAB] =	sst s9;
	s0 =	simm.s32 @!p0 $0x0  }
0x12: {  	s1 =	sld [smem:$0x3F91];
	s0 =	simm.s32 @p0 $0x1  }
0x13: {  	[smem:$0x3FAC] =	sst s0;
	s0 =	simm.s32 @!p1 $0x0  }
0x14: {  	s2 =	sld [smem:$0x3F90];
	s0 =	simm.s32 @p1 $0x1  }
0x15: {  	[smem:$0x3FAD] =	sst s0;
	s0 =	simm.s32 @!p2 $0x0  }
0x16: {  	s3 =	sld [smem:$0x3FDB];
	s0 =	simm.s32 @p2 $0x1  }
0x17: {  	s4 =	simm.s32 $0x1BF5;
	[smem:$0x3FAF] =	sst s0  }
0x18: {  	s0 =	sld [smem:$0x3F92];
	_ =	swait.ge [sflag:s4], $0x0  }
0x19: {  	s7 =	sld [smem:$0x3F93]  }
0x1a: {  	s8 =	sadd.s32 $0xFFFFE003, lr  }
0x1b: {  	s9 =	sadd.s32 $0xFFFFFEF7, lr;
	s5 =	simm.s32 $0xFFFFFFFF;
	p2 =	slt.u32 s8, $0xFFFFF086  }
0x1c: {  	p1 =	slt.u32 s9, $0xF7A;
	s5 =	simm.s32 @!p2 $0x0  }
0x1d: {  	s5 =	simm.s32 @p1 $0x1;
	p0 =	seq.s32 s7, s2  }
0x1e: {  	s7 =	smul.u32 @!p0 $0xF7A, s2;
	p2 =	seq.s32 @!p0 s5, $0x0  }
0x1f: {  	s9 =	smul.u32 $0xF7A, s1;
	s8 =	simm.s32 @!p0 $0x1BF5;
	p2 =	por !p2, p0  }
0x20: {  	[sflag:s8] =	ssyncset.s32 @!p0 $0xFFFFF086;
	s6 =	sadd.s32 @!p0 s3, s7;
	s7 =	simm.s32 @!p0 $0x108  }
0x21: {  	s3 =	sadd.s32 s3, s9;
	s6 =	sadd.s32 @!p0 $0x88, s6;
	s7 =	simm.s32 @p2 $0x1082  }
0x22: {  	[simem:s7], [sflag:s8] =	dma.local @!p0 [hbm:s6], $0xF7A  }
0x23: {  	s9 =	sor.u32 $0xD0000000, s2;
	s6 =	simm.s32 $0x108;
	_ =	swait.ge @!p0 [sflag:s8], $0x0  }
0x24: {  	s3 =	sadd.s32 $0x88, s3;
	s6 =	simm.s32 @!p1 $0x1082;
	[sflag:s4] =	ssyncset.s32 $0xFFFFF086  }
0x25: {  	[simem:s6], [sflag:s4] =	dma.local [hbm:s3], $0xF7A  }
0x26: {  	[smem:$0x3F93] =	sst s1;
	(tag) =	ssettag s2;
	_ =	strace s9  }
0x27: {  	s1 =	sld [smem:$0x3FA3]  }
0x28: {  	s2 =	sld [smem:$0x3FA4]  }
0x29: {  	s4 =	sld [smem:$0x3FA6]  }
0x2a: {  	p0 =	seq.s32 s5, $0x0;
	s5 =	sld [smem:$0x3FA7]  }
0x2b: {  	s6 =	sld [smem:$0x3FA8]  }
0x2c: {  	s7 =	sld [smem:$0x3FA9]  }
0x2d: {  	s3 =	simm.s32 $0x108;
	s8 =	sld [smem:$0x3FAA]  }
0x2e: {  	s3 =	simm.s32 @!p0 $0x1082;
	s9 =	sld [smem:$0x3FAB]  }
0x2f: {  	lr =	sadd.s32 s0, s3;
	s0 =	sld [smem:$0x3FA2]  }
0x30: {  	s3 =	sld [smem:$0x3FA5]  }
0x31: {  	[smem:$0x3FAE] =	sst s10  }
0x32: {  	s10 =	sld [smem:$0x3FAC];
	_ =	sdelay $0x3  }
0x33: {  	p0 =	seq.s32 s10, $0x1;
	s10 =	sld [smem:$0x3FAE];
	_ =	sdelay $0x3  }
0x34: {  	[smem:$0x3FAE] =	sst s10  }
0x35: {  	s10 =	sld [smem:$0x3FAD];
	_ =	sdelay $0x3  }
0x36: {  	p1 =	seq.s32 s10, $0x1;
	s10 =	sld [smem:$0x3FAE];
	_ =	sdelay $0x3  }
0x37: {  	[smem:$0x3FAE] =	sst s10  }
0x38: {  	s10 =	sld [smem:$0x3FAF]  }
0x39: {  	_ = 	snop;
	(pc) =	sbr.ind lr, $3  }
0x3a: {  	_ = 	snop  }
0x3b: {  	_ = 	snop  }
0x3c: {  	p2 =	seq.s32 s10, $0x1;
	s10 =	sld [smem:$0x3FAE]  }
0x3d: {  	_ =	shalt  }
0x3e: {  	_ =	shalt  }
0x3f: {  	_ =	shalt  }
0x40: {  	_ =	shalt  }
0x41: {  	_ =	shalt  }
0x42: {  	_ =	shalt  }
0x43: {  	_ =	shalt  }
0x44: {  	_ =	shalt  }
0x45: {  	_ =	shalt  }
0x46: {  	_ =	shalt  }
0x47: {  	_ =	shalt  }
0x48: {  	_ =	shalt  }
0x49: {  	_ =	shalt  }
0x4a: {  	_ =	shalt  }
0x4b: {  	_ =	shalt  }
0x4c: {  	_ =	shalt  }
0x4d: {  	_ =	shalt  }
0x4e: {  	_ =	shalt  }
0x4f: {  	_ =	shalt  }
0x50: {  	_ =	shalt  }
0x51: {  	_ =	shalt  }
0x52: {  	_ =	shalt  }
0x53: {  	_ =	shalt  }
0x54: {  	_ =	shalt  }
0x55: {  	_ =	shalt  }
0x56: {  	_ =	shalt  }
0x57: {  	_ =	shalt  }
0x58: {  	_ =	shalt  }
0x59: {  	_ =	shalt  }
0x5a: {  	_ =	shalt  }
0x5b: {  	_ =	shalt  }
0x5c: {  	_ =	shalt  }
0x5d: {  	_ =	shalt  }
0x5e: {  	_ =	shalt  }
0x5f: {  	_ =	shalt  }
0x60: {  	_ =	shalt  }
0x61: {  	_ =	shalt  }
0x62: {  	_ =	shalt  }
0x63: {  	_ =	shalt  }
0x64: {  	_ =	shalt  }
0x65: {  	_ =	shalt  }
0x66: {  	_ =	shalt  }
0x67: {  	_ =	shalt  }
0x68: {  	_ =	shalt  }
0x69: {  	_ =	shalt  }
0x6a: {  	_ =	shalt  }
0x6b: {  	_ =	shalt  }
0x6c: {  	_ =	shalt  }
0x6d: {  	_ =	shalt  }
0x6e: {  	_ =	shalt  }
0x6f: {  	_ =	shalt  }
0x70: {  	_ =	shalt  }
0x71: {  	_ =	shalt  }
0x72: {  	_ =	shalt  }
0x73: {  	_ =	shalt  }
0x74: {  	_ =	shalt  }
0x75: {  	_ =	shalt  }
0x76: {  	_ =	shalt  }
0x77: {  	_ =	shalt  }
0x78: {  	_ =	shalt  }
0x79: {  	_ =	shalt  }
0x7a: {  	_ =	shalt  }
0x7b: {  	_ =	shalt  }
0x7c: {  	_ =	shalt  }
0x7d: {  	_ =	shalt  }
0x7e: {  	_ =	shalt  }
0x7f: {  	_ =	shalt  }
0x80: {  	_ =	shalt  }
0x81: {  	_ =	shalt  }
0x82: {  	_ =	shalt  }
0x83: {  	_ =	shalt  }
0x84: {  	_ =	shalt  }
0x85: {  	_ =	shalt  }
0x86: {  	_ =	shalt  }
0x87: {  	_ =	shalt  }
.Lfunc_end0:
.L_simem_size_0:
called_computation.2_lowered:
.L_overlay_start_0:
0x88: {  	s2 =	sld [smem:$0x3FD9]  }
0x89: {  	s3 =	sld [smem:$0x3FFE];
	_ =	sdelay $0x1  }
0x8a: {  	s1 =	srdreg.scid  }
0x8b: {  	s0 =	sand.u32 $0x1, s1  }
0x8c: {  	s14 =	sshll.u32 s0, $0xA;
	s2 =	sadd.s32 s3, s2  }
0x8d: {  	s2 =	sadd.s32 s2, s14  }
0x8e: {  	[smem:$0x3FBA] =	sst s2  }
0x8f: {  	_ = 	snop  }
0x90: {  	s2 =	sld [smem:$0x3FD0];
	_ =	sdelay $0x1  }
0x91: {  	s15 =	sld [smem:$0x3FC7]  }
0x92: {  	s5 =	simm.s32 $0xA;
	s6 =	simm.s32 $0x10;
	s4 =	sld [smem:$0x3FC6]  }
0x93: {  	[smem:s6], [sflag:s5] =	dma.local [hbm:s2], $0x1  }
0x94: {  	_ =	swait.eq [sflag:s5], $0x1  }
0x95: {  	s16 =	sld [smem:$0x10];
	[sflag:s5] =	ssyncset.done $0x0  }
0x96: {  	s17 =	sld [smem:$0x11];
	[sflag:s5] =	ssyncadd.s32 $0xFFFFFFFF  }
0x97: {  	s18 =	sld [smem:$0x12];
	(tm) =	ssettm $0x1  }
0x98: {  	s7 =	sld [smem:$0x3FFB];
	_ =	sdelay $0x3  }
0x99: {  	_ =	strace s7  }
0x9a: {  	s7 =	sld [smem:$0x3FFC];
	_ =	sdelay $0x3  }
0x9b: {  	_ =	strace s7  }
0x9c: {  	s7 =	sld [smem:$0x3FFD];
	_ =	sdelay $0x3  }
0x9d: {  	_ =	strace s7  }
0x9e: {  	_ =	strace $0x8FFFFFFF  }
0x9f: {  	s19 =	sld [smem:$0x3FDB];
	_ =	sdelay $0x1  }
0xa0: {  	s8 =	simm.s32 $_scs_section_size  }
0xa1: {  	s9 =	simm.s32 $_size__tile_overlayer_lowered;
	s10 =	simm.s32 $_tile_overlayer_lowered  }
0xa2: {  	s22 =	simm.s32 $0x1BFF;
	s21 =	sshll.u32 s10, $0x1;
	s7 =	sadd.s32 s8, s19  }
0xa3: {  	s11 =	simm.s32 $0x0;
	s20 =	sshll.u32 s9, $0x1;
	s9 =	sadd.s32 s21, s7  }
0xa4: {  	[timem:s11], [sflag:s22] =	dma.local [hbm:s9], s20  }
0xa5: {  	_ =	swait.ge [sflag:s22], s20  }
0xa6: {  	s8 =	ssub.s32 $0x0, s20;
	[sflag:s22] =	ssyncset.done $0x0  }
0xa7: {  	[sflag:s22] =	ssyncadd.s32 s8;
	_ =	sdelay $0x1  }
0xa8: {  	s23 =	simm.s32 $0x1B8B  }
0xa9: {  	_ =	swait.ge [sflag:s23], $0x1  }
0xaa: {  	[sflag:s23] =	ssyncset.done $0x0  }
0xab: {  	s25 =	simm.s32 $0x1B8E;
	s24 =	sld [smem:$0x3FFE];
	[sflag:s23] =	ssyncadd.s32 $0xFFFFFFFF  }
0xac: {  	s26 =	simm.s32 $execute0_lowered;
	[smem:$0x3FD2] =	sst s25  }
0xad: {  	s9 =	sshll.u32 s26, $0x1;
	_ =	strace $0x8000004C;
	[dreg:$0x1] =	wrdreg $0xFFFFFFFF  }
0xae: {  	s28 =	simm.s32 $_size_execute0_lowered;
	s7 =	sadd.s32 s7, s9;
	[dreg:$0x0] =	wrdreg $0x0  }
0xaf: {  	s9 =	sshll.u32 s28, $0x1;
	[dreg:$0x2] =	wrdreg s7  }
0xb0: {  	[dreg:$0x3] =	wrdreg s9  }
0xb1: {  	[dreg:$0x4] =	wrdreg $0xC0  }
0xb2: {  	_ =	task [dreg:s11], $0x5FFFF  }
0xb3: {  	[dreg:$0x1] =	wrdreg $0xFFFFFFFF  }
0xb4: {  	[dreg:$0x0] =	wrdreg $0x60  }
0xb5: {  	[dreg:$0x2] =	wrdreg s18  }
0xb6: {  	[dreg:$0x3] =	wrdreg s24  }
0xb7: {  	[dreg:$0x4] =	wrdreg s15  }
0xb8: {  	[dreg:$0x5] =	wrdreg s4  }
0xb9: {  	[dreg:$0x6] =	wrdreg s16  }
0xba: {  	[dreg:$0x7] =	wrdreg s17  }
0xbb: {  	[dreg:$0x8] =	wrdreg $0x9  }
0xbc: {  	_ =	task.clear_ibuf [dreg:s11], $0x9FFFF;
	_ =	strace $0x9000004C  }
0xbd: {  	s29 =	simm.s32 $0x9;
	_ =	strace $0x8000004E  }
0xbe: {  	_ =	swait.ge [sflag:s29], $0x1  }
0xbf: {  	[sflag:s29] =	ssyncadd.s32 $0xFFFFFFFF  }
0xc0: {  	_ =	strace $0x9000004E  }
0xc1: {  	_ =	sfence  }
0xc2: {  	s30 =	sld [smem:$0x0];
	_ =	sdelay $0x2  }
0xc3: {  	s31 =	sshll.u32 s1, $0xD;
	s1 =	sshrl.u32 s1, $0x2  }
0xc4: {  	s3 =	sand.u32 $0x4000, s31;
	s1 =	sadd.s32 s1, s30  }
0xc5: {  	s0 =	sor.u32 s3, s0;
	s1 =	sshll.u32 s1, $0x11  }
0xc6: {  	s0 =	sor.u32 s1, s0  }
0xc7: {  	s0 =	sadd.s32 $0x8F2B, s0  }
0xc8: {  	[sflag:s0] =	ssyncadd.remote.s32 $0x1  }
0xc9: {  	_ =	sfence.sel $0xFFFF  }
0xca: {  	[dreg:$0x0] =	wrdreg $0xFFFFFFFF;
	(pc) =	sbr.abs _section_cstart, $3  }
0xcb: {  	[dreg:$0x1] =	wrdreg $0xFFFFFFFF  }
0xcc: {  	_ =	task.clear_ibuf [dreg:s11], $0x2FFFF;
	_ =	strace $0x9FFFFFFF  }
0xcd: {  	(tm) =	ssettm $0x7FFFFFFF  }
tec
execute0_lowered:
.L_overlay_start_1:
0x0: {  	(tag) =	ssettag $0x1  }
0x1: {  	s0 =	rddreg [dreg:$0x0]  }
0x2: {  	s12 =	rddreg [dreg:$0x1]  }
0x3: {  	s4 =	rddreg [dreg:$0x2]  }
0x4: {  	s6 =	rddreg [dreg:$0x3];
	s2 =	srdreg.scid  }
0x5: {  	s11 =	rddreg [dreg:$0x4];
	s1 =	stileid.u32;
	s13 =	sand.u32 $0x1, s2  }
0x6: {  	s14 =	rddreg [dreg:$0x5];
	s5 =	sshll.u32 s1, $0x6;
	s7 =	sshll.u32 s13, $0x5  }
0x7: {  	s3 =	simm.s32 $0x0;
	s2 =	rddreg [dreg:$0x6];
	s15 =	sor.u32 s7, s5  }
0x8: {  	[smem:$0x7FF] =	sst s3;
	s7 =	sshrl.u32 s15, $0x3  }
0x9: {  	_ =	strace $0x8000004D;
	s5 =	sadd.s32 s4, s7;
	s4 =	simm.s32 $0x2  }
0xa: {  	[tilespmem:s3], [sflag:$0x2] =	stream.linear.gather [hbm4b:s5+s3], $0x20, $0x38;
	[tilespmem:$0x2100] =	vst v63  }
0xb: {  	_ =	swait.ge [sflag:s4], $0x20  }
0xc: {  	[sflag:s4] =	ssyncset.done $0x0  }
0xd: {  	s6 =	sadd.s32 s6, s7;
	s7 =	simm.s32 $0x80;
	[sflag:s4] =	ssyncadd.s32 $0xFFFFFFE0  }
0xe: {  	[tilespmem:s7], [sflag:$0x2] =	stream.linear.gather [hbm4b:s6+s3], $0x20, $0x38;
	[tilespmem:$0x2100] =	vst v63  }
0xf: {  	_ =	swait.ge [sflag:s4], $0x20  }
0x10: {  	s8 =	simm.s32 $0x20;
	[sflag:s4] =	ssyncset.done $0x0  }
0x11: {  	s9 =	simm.s32 $0x100;
	s10 =	simm.s32 $0x1;
	[sflag:s4] =	ssyncadd.s32 $0xFFFFFFE0  }
0x12: {  	[tilespmem:s9], [sflag:$0x1] =	stream.indirect.gather [hbm4b:s0+s8], $0x80, s3, s8, $0xb8;
	[tilespmem:$0x2100] =	vst v63  }
0x13: {  	_ =	swait.ge [sflag:s10], $0x1000  }
0x14: {  	s15 =	sshll.u32 s15, $0x4;
	[sflag:s10] =	ssyncset.done $0x0  }
0x15: {  	s16 =	ssub.s32 $0x2, s13;
	s11 =	sadd.s32 s11, s15;
	[sflag:s10] =	ssyncadd.s32 $0xFFFFF000  }
0x16: {  	[hbm4b:s11+s3] =	stream.linear.scatter [tilespmem:s9], [sflag:$0x2], $0x1000, $0x38;
	[tilespmem:$0x2100] =	vst v63  }
0x17: {  	s17 =	sshrl.u32 s16, $0x1;
	_ =	swait.ge [sflag:s4], $0x1000  }
0x18: {  	s12 =	sadd.s32 $0x2CE00, s12;
	s16 =	ssub.s32 s16, s17;
	[sflag:s4] =	ssyncset.done $0x0  }
0x19: {  	s13 =	simm.s32 $0x1100;
	s31 =	smax.u32 s16, $0x1;
	[sflag:s4] =	ssyncadd.s32 $0xFFFFF000  }
0x1a: {  	[tilespmem:s13], [sflag:$0x1] =	stream.indirect.gather [hbm4b:s12+s8], $0x80, s7, s8, $0xb8;
	[tilespmem:$0x2100] =	vst v63  }
0x1b: {  	p0 =	sne.s32 s31, $0x1;
	_ =	swait.ge [sflag:s10], $0x1000  }
.Ltmp0:
0x1c: {  	[sflag:s10] =	ssyncset.done $0x0;
	(pc) =	sbr.rel @!p0 .LBB2_2-.Ltmp0, $4  }
0x1d: {  	s14 =	sadd.s32 s14, s15;
	[sflag:s10] =	ssyncadd.s32 $0xFFFFF000  }
0x1e: {  	[hbm4b:s14+s3] =	stream.linear.scatter [tilespmem:s13], [sflag:$0x2], $0x1000, $0x38;
	[tilespmem:$0x2100] =	vst v63  }
0x1f: {  	_ =	swait.ge [sflag:s4], $0x1000  }
0x20: {  	s15 =	sadd.s32 $0xFFFFFFFF, s31;
	[sflag:s4] =	ssyncset.done $0x0  }
.LBB2_1:
0x21: {  	p0 =	sne.s32 s15, $0x1;
	s15 =	sadd.s32 $0xFFFFFFFF, s15;
	[sflag:s4] =	ssyncadd.s32 $0xFFFFF000  }
0x22: {  	[tilespmem:s3], [sflag:$0x2] =	stream.linear.gather [hbm4b:s5+s3], $0x20, $0x38;
	[tilespmem:$0x2100] =	vst v63  }
0x23: {  	_ =	swait.ge [sflag:s4], $0x20  }
0x24: {  	[sflag:s4] =	ssyncset.done $0x0  }
0x25: {  	[sflag:s4] =	ssyncadd.s32 $0xFFFFFFE0  }
0x26: {  	[tilespmem:s7], [sflag:$0x2] =	stream.linear.gather [hbm4b:s6+s3], $0x20, $0x38;
	[tilespmem:$0x2100] =	vst v63  }
0x27: {  	_ =	swait.ge [sflag:s4], $0x20  }
0x28: {  	[sflag:s4] =	ssyncset.done $0x0  }
0x29: {  	[sflag:s4] =	ssyncadd.s32 $0xFFFFFFE0  }
0x2a: {  	[tilespmem:s9], [sflag:$0x1] =	stream.indirect.gather [hbm4b:s0+s8], $0x80, s3, s8, $0xb8;
	[tilespmem:$0x2100] =	vst v63  }
0x2b: {  	_ =	swait.ge [sflag:s10], $0x1000  }
0x2c: {  	[sflag:s10] =	ssyncset.done $0x0  }
0x2d: {  	[sflag:s10] =	ssyncadd.s32 $0xFFFFF000  }
0x2e: {  	[hbm4b:s11+s3] =	stream.linear.scatter [tilespmem:s9], [sflag:$0x2], $0x1000, $0x38;
	[tilespmem:$0x2100] =	vst v63  }
0x2f: {  	_ =	swait.ge [sflag:s4], $0x1000  }
0x30: {  	[sflag:s4] =	ssyncset.done $0x0  }
0x31: {  	[sflag:s4] =	ssyncadd.s32 $0xFFFFF000  }
0x32: {  	[tilespmem:s13], [sflag:$0x1] =	stream.indirect.gather [hbm4b:s12+s8], $0x80, s7, s8, $0xb8;
	[tilespmem:$0x2100] =	vst v63  }
0x33: {  	_ =	swait.ge [sflag:s10], $0x1000  }
.Ltmp1:
0x34: {  	[sflag:s10] =	ssyncset.done $0x0;
	(pc) =	sbr.rel @p0 .LBB2_1-.Ltmp1, $4  }
0x35: {  	[sflag:s10] =	ssyncadd.s32 $0xFFFFF000  }
0x36: {  	[hbm4b:s14+s3] =	stream.linear.scatter [tilespmem:s13], [sflag:$0x2], $0x1000, $0x38;
	[tilespmem:$0x2100] =	vst v63  }
0x37: {  	_ =	swait.ge [sflag:s4], $0x1000  }
0x38: {  	[sflag:s4] =	ssyncset.done $0x0  }
.LBB2_2:
0x39: {  	[sflag:s4] =	ssyncadd.s32 $0xFFFFF000  }
0x3a: {  	_ =	sfence.sel $0x180000  }
0x3b: {  	[bflag:$0x0] =	sbarrier.arrive $0xFFFF  }
0x3c: {  	p0 =	sne.s32 s1, $0x0;
	_ =	strace $0x9000004D  }
0x3d: {  	s0 =	sadd.s32 @!p0 $0x100000, s2;
	[bflag:$0x2] =	sbarrier.arrive $0xFFFF  }
0x3e: {  	[sflag:s0] =	ssyncadd.tile.s32 @!p0 $0x1;
	_ =	shalt  }
.Lfunc_end2:
_tile_overlayer_lowered:
.L_overlay_start_2:
0x3f: {  	(tag) =	ssettag $0x2  }
0x40: {  	s0 =	rddreg [dreg:$0x0];
	s2 =	stileid.u32  }
0x41: {  	s1 =	rddreg [dreg:$0x1];
	p0 =	sne.s32 s2, $0x0  }
0x42: {  	s3 =	rddreg [dreg:$0x2];
	[bflag:$0x3] =	sbarrier.arrive $0xFFFF;
	s2 =	simm.s32 @!p0 $0x1C02  }
0x43: {  	[timem:s3], [sflag:s2] =	dma.local @!p0 [hbm:s0], s1  }
0x44: {  	s0 =	simm.s32 @!p0 $0x2  }
0x45: {  	_ =	swait.ge @!p0 [sflag:s0], s1  }
0x46: {  	s1 =	ssub.s32 @!p0 $0x0, s1;
	[sflag:s0] =	ssyncset.done @!p0 $0x0  }
0x47: {  	[sflag:s0] =	ssyncadd.s32 @!p0 s1  }
0x48: {  	[bflag:$0x3] =	sbarrier.arrive $0xFFFF  }
0x49: {  	_ =	shalt  }

// kernel: kernel.8.cloned.1.call-start
scs
__scs_entry_jumppad:
0x0: {  	(pc) =	sbr.rel $0x88, $3  }
0x1: {  	(tag) =	ssettag $0x0;
	lr =	simm.s32 $0x1  }
0x2: {  	[smem:$0x3F93] =	sst lr;
	_ =	strace $0xD0000000  }
0x3: {  	_ = 	snop  }
0x4: {  	_ = 	snop  }
0x5: {  	_ = 	snop  }
0x6: {  	_ = 	snop  }
0x7: {  	_ = 	snop  }
__scs_overlays_trampoline_lowered:
0x8: {  	[smem:$0x3FA2] =	sst s0  }
0x9: {  	[smem:$0x3FA3] =	sst s1  }
0xa: {  	[smem:$0x3FA4] =	sst s2  }
0xb: {  	[smem:$0x3FA5] =	sst s3  }
0xc: {  	[smem:$0x3FA6] =	sst s4  }
0xd: {  	[smem:$0x3FA7] =	sst s5  }
0xe: {  	[smem:$0x3FA8] =	sst s6  }
0xf: {  	[smem:$0x3FA9] =	sst s7  }
0x10: {  	[smem:$0x3FAA] =	sst s8  }
0x11: {  	[smem:$0x3FAB] =	sst s9;
	s0 =	simm.s32 @!p0 $0x0  }
0x12: {  	s1 =	sld [smem:$0x3F91];
	s0 =	simm.s32 @p0 $0x1  }
0x13: {  	[smem:$0x3FAC] =	sst s0;
	s0 =	simm.s32 @!p1 $0x0  }
0x14: {  	s2 =	sld [smem:$0x3F90];
	s0 =	simm.s32 @p1 $0x1  }
0x15: {  	[smem:$0x3FAD] =	sst s0;
	s0 =	simm.s32 @!p2 $0x0  }
0x16: {  	s3 =	sld [smem:$0x3FDB];
	s0 =	simm.s32 @p2 $0x1  }
0x17: {  	s4 =	simm.s32 $0x1BF5;
	[smem:$0x3FAF] =	sst s0  }
0x18: {  	s0 =	sld [smem:$0x3F92];
	_ =	swait.ge [sflag:s4], $0x0  }
0x19: {  	s7 =	sld [smem:$0x3F93]  }
0x1a: {  	s8 =	sadd.s32 $0xFFFFE003, lr  }
0x1b: {  	s9 =	sadd.s32 $0xFFFFFEF7, lr;
	s5 =	simm.s32 $0xFFFFFFFF;
	p2 =	slt.u32 s8, $0xFFFFF086  }
0x1c: {  	p1 =	slt.u32 s9, $0xF7A;
	s5 =	simm.s32 @!p2 $0x0  }
0x1d: {  	s5 =	simm.s32 @p1 $0x1;
	p0 =	seq.s32 s7, s2  }
0x1e: {  	s7 =	smul.u32 @!p0 $0xF7A, s2;
	p2 =	seq.s32 @!p0 s5, $0x0  }
0x1f: {  	s9 =	smul.u32 $0xF7A, s1;
	s8 =	simm.s32 @!p0 $0x1BF5;
	p2 =	por !p2, p0  }
0x20: {  	[sflag:s8] =	ssyncset.s32 @!p0 $0xFFFFF086;
	s6 =	sadd.s32 @!p0 s3, s7;
	s7 =	simm.s32 @!p0 $0x108  }
0x21: {  	s3 =	sadd.s32 s3, s9;
	s6 =	sadd.s32 @!p0 $0x88, s6;
	s7 =	simm.s32 @p2 $0x1082  }
0x22: {  	[simem:s7], [sflag:s8] =	dma.local @!p0 [hbm:s6], $0xF7A  }
0x23: {  	s9 =	sor.u32 $0xD0000000, s2;
	s6 =	simm.s32 $0x108;
	_ =	swait.ge @!p0 [sflag:s8], $0x0  }
0x24: {  	s3 =	sadd.s32 $0x88, s3;
	s6 =	simm.s32 @!p1 $0x1082;
	[sflag:s4] =	ssyncset.s32 $0xFFFFF086  }
0x25: {  	[simem:s6], [sflag:s4] =	dma.local [hbm:s3], $0xF7A  }
0x26: {  	[smem:$0x3F93] =	sst s1;
	(tag) =	ssettag s2;
	_ =	strace s9  }
0x27: {  	s1 =	sld [smem:$0x3FA3]  }
0x28: {  	s2 =	sld [smem:$0x3FA4]  }
0x29: {  	s4 =	sld [smem:$0x3FA6]  }
0x2a: {  	p0 =	seq.s32 s5, $0x0;
	s5 =	sld [smem:$0x3FA7]  }
0x2b: {  	s6 =	sld [smem:$0x3FA8]  }
0x2c: {  	s7 =	sld [smem:$0x3FA9]  }
0x2d: {  	s3 =	simm.s32 $0x108;
	s8 =	sld [smem:$0x3FAA]  }
0x2e: {  	s3 =	simm.s32 @!p0 $0x1082;
	s9 =	sld [smem:$0x3FAB]  }
0x2f: {  	lr =	sadd.s32 s0, s3;
	s0 =	sld [smem:$0x3FA2]  }
0x30: {  	s3 =	sld [smem:$0x3FA5]  }
0x31: {  	[smem:$0x3FAE] =	sst s10  }
0x32: {  	s10 =	sld [smem:$0x3FAC];
	_ =	sdelay $0x3  }
0x33: {  	p0 =	seq.s32 s10, $0x1;
	s10 =	sld [smem:$0x3FAE];
	_ =	sdelay $0x3  }
0x34: {  	[smem:$0x3FAE] =	sst s10  }
0x35: {  	s10 =	sld [smem:$0x3FAD];
	_ =	sdelay $0x3  }
0x36: {  	p1 =	seq.s32 s10, $0x1;
	s10 =	sld [smem:$0x3FAE];
	_ =	sdelay $0x3  }
0x37: {  	[smem:$0x3FAE] =	sst s10  }
0x38: {  	s10 =	sld [smem:$0x3FAF]  }
0x39: {  	_ = 	snop;
	(pc) =	sbr.ind lr, $3  }
0x3a: {  	_ = 	snop  }
0x3b: {  	_ = 	snop  }
0x3c: {  	p2 =	seq.s32 s10, $0x1;
	s10 =	sld [smem:$0x3FAE]  }
0x3d: {  	_ =	shalt  }
0x3e: {  	_ =	shalt  }
0x3f: {  	_ =	shalt  }
0x40: {  	_ =	shalt  }
0x41: {  	_ =	shalt  }
0x42: {  	_ =	shalt  }
0x43: {  	_ =	shalt  }
0x44: {  	_ =	shalt  }
0x45: {  	_ =	shalt  }
0x46: {  	_ =	shalt  }
0x47: {  	_ =	shalt  }
0x48: {  	_ =	shalt  }
0x49: {  	_ =	shalt  }
0x4a: {  	_ =	shalt  }
0x4b: {  	_ =	shalt  }
0x4c: {  	_ =	shalt  }
0x4d: {  	_ =	shalt  }
0x4e: {  	_ =	shalt  }
0x4f: {  	_ =	shalt  }
0x50: {  	_ =	shalt  }
0x51: {  	_ =	shalt  }
0x52: {  	_ =	shalt  }
0x53: {  	_ =	shalt  }
0x54: {  	_ =	shalt  }
0x55: {  	_ =	shalt  }
0x56: {  	_ =	shalt  }
0x57: {  	_ =	shalt  }
0x58: {  	_ =	shalt  }
0x59: {  	_ =	shalt  }
0x5a: {  	_ =	shalt  }
0x5b: {  	_ =	shalt  }
0x5c: {  	_ =	shalt  }
0x5d: {  	_ =	shalt  }
0x5e: {  	_ =	shalt  }
0x5f: {  	_ =	shalt  }
0x60: {  	_ =	shalt  }
0x61: {  	_ =	shalt  }
0x62: {  	_ =	shalt  }
0x63: {  	_ =	shalt  }
0x64: {  	_ =	shalt  }
0x65: {  	_ =	shalt  }
0x66: {  	_ =	shalt  }
0x67: {  	_ =	shalt  }
0x68: {  	_ =	shalt  }
0x69: {  	_ =	shalt  }
0x6a: {  	_ =	shalt  }
0x6b: {  	_ =	shalt  }
0x6c: {  	_ =	shalt  }
0x6d: {  	_ =	shalt  }
0x6e: {  	_ =	shalt  }
0x6f: {  	_ =	shalt  }
0x70: {  	_ =	shalt  }
0x71: {  	_ =	shalt  }
0x72: {  	_ =	shalt  }
0x73: {  	_ =	shalt  }
0x74: {  	_ =	shalt  }
0x75: {  	_ =	shalt  }
0x76: {  	_ =	shalt  }
0x77: {  	_ =	shalt  }
0x78: {  	_ =	shalt  }
0x79: {  	_ =	shalt  }
0x7a: {  	_ =	shalt  }
0x7b: {  	_ =	shalt  }
0x7c: {  	_ =	shalt  }
0x7d: {  	_ =	shalt  }
0x7e: {  	_ =	shalt  }
0x7f: {  	_ =	shalt  }
0x80: {  	_ =	shalt  }
0x81: {  	_ =	shalt  }
0x82: {  	_ =	shalt  }
0x83: {  	_ =	shalt  }
0x84: {  	_ =	shalt  }
0x85: {  	_ =	shalt  }
0x86: {  	_ =	shalt  }
0x87: {  	_ =	shalt  }
.Lfunc_end0:
.L_simem_size_0:
called_computation_lowered:
.L_overlay_start_0:
0x88: {  	s2 =	sld [smem:$0x3FD9]  }
0x89: {  	s3 =	sld [smem:$0x3FFE];
	_ =	sdelay $0x1  }
0x8a: {  	s1 =	srdreg.scid  }
0x8b: {  	s0 =	sand.u32 $0x1, s1  }
0x8c: {  	s14 =	sshll.u32 s0, $0xA;
	s2 =	sadd.s32 s3, s2  }
0x8d: {  	s2 =	sadd.s32 s2, s14  }
0x8e: {  	[smem:$0x3FBA] =	sst s2  }
0x8f: {  	_ = 	snop  }
0x90: {  	s2 =	sld [smem:$0x3FD0];
	_ =	sdelay $0x1  }
0x91: {  	s15 =	sld [smem:$0x3FC5]  }
0x92: {  	s5 =	simm.s32 $0xA;
	s6 =	simm.s32 $0x10;
	s4 =	sld [smem:$0x3FC4]  }
0x93: {  	[smem:s6], [sflag:s5] =	dma.local [hbm:s2], $0x1  }
0x94: {  	_ =	swait.eq [sflag:s5], $0x1  }
0x95: {  	[sflag:s5] =	ssyncset.done $0x0  }
0x96: {  	s16 =	sld [smem:$0x11];
	[sflag:s5] =	ssyncadd.s32 $0xFFFFFFFF  }
0x97: {  	s17 =	sld [smem:$0x12];
	(tm) =	ssettm $0x1  }
0x98: {  	s18 =	sld [smem:$0x3FFB];
	_ =	sdelay $0x3  }
0x99: {  	_ =	strace s18  }
0x9a: {  	s6 =	sld [smem:$0x3FFC];
	_ =	sdelay $0x3  }
0x9b: {  	_ =	strace s6  }
0x9c: {  	s6 =	sld [smem:$0x3FFD];
	_ =	sdelay $0x3  }
0x9d: {  	_ =	strace s6  }
0x9e: {  	_ =	strace $0x8FFFFFFF  }
0x9f: {  	s19 =	sld [smem:$0x3FDB];
	_ =	sdelay $0x1  }
0xa0: {  	s7 =	simm.s32 $_scs_section_size  }
0xa1: {  	s8 =	simm.s32 $_size__tile_overlayer_lowered;
	s9 =	simm.s32 $_tile_overlayer_lowered  }
0xa2: {  	s22 =	simm.s32 $0x1BFF;
	s21 =	sshll.u32 s9, $0x1;
	s6 =	sadd.s32 s7, s19  }
0xa3: {  	s10 =	simm.s32 $0x0;
	s20 =	sshll.u32 s8, $0x1;
	s8 =	sadd.s32 s21, s6  }
0xa4: {  	[timem:s10], [sflag:s22] =	dma.local [hbm:s8], s20  }
0xa5: {  	_ =	swait.ge [sflag:s22], s20  }
0xa6: {  	s7 =	ssub.s32 $0x0, s20;
	[sflag:s22] =	ssyncset.done $0x0  }
0xa7: {  	[sflag:s22] =	ssyncadd.s32 s7;
	_ =	sdelay $0x1  }
0xa8: {  	s23 =	simm.s32 $0x1B8B  }
0xa9: {  	_ =	swait.ge [sflag:s23], $0x1  }
0xaa: {  	[sflag:s23] =	ssyncset.done $0x0  }
0xab: {  	s25 =	simm.s32 $0x1B8E;
	s24 =	sld [smem:$0x3FFE];
	[sflag:s23] =	ssyncadd.s32 $0xFFFFFFFF  }
0xac: {  	s26 =	simm.s32 $execute0_lowered;
	[smem:$0x3FD2] =	sst s25  }
0xad: {  	s8 =	sshll.u32 s26, $0x1;
	_ =	strace $0x80000046;
	[dreg:$0x1] =	wrdreg $0xFFFFFFFF  }
0xae: {  	s28 =	simm.s32 $_size_execute0_lowered;
	s6 =	sadd.s32 s6, s8;
	[dreg:$0x0] =	wrdreg $0x0  }
0xaf: {  	s8 =	sshll.u32 s28, $0x1;
	[dreg:$0x2] =	wrdreg s6  }
0xb0: {  	[dreg:$0x3] =	wrdreg s8  }
0xb1: {  	[dreg:$0x4] =	wrdreg $0xC0  }
0xb2: {  	_ =	task [dreg:s10], $0x5FFFF  }
0xb3: {  	[dreg:$0x1] =	wrdreg $0xFFFFFFFF  }
0xb4: {  	[dreg:$0x0] =	wrdreg $0x60  }
0xb5: {  	[dreg:$0x2] =	wrdreg s24  }
0xb6: {  	[dreg:$0x3] =	wrdreg s15  }
0xb7: {  	[dreg:$0x4] =	wrdreg s4  }
0xb8: {  	[dreg:$0x5] =	wrdreg s16  }
0xb9: {  	[dreg:$0x6] =	wrdreg s17  }
0xba: {  	[dreg:$0x7] =	wrdreg $0x98800  }
0xbb: {  	[dreg:$0x8] =	wrdreg $0x136400  }
0xbc: {  	[dreg:$0x9] =	wrdreg $0x135000  }
0xbd: {  	[dreg:$0xa] =	wrdreg $0x9  }
0xbe: {  	_ =	task.clear_ibuf [dreg:s10], $0xBFFFF;
	_ =	strace $0x90000046  }
0xbf: {  	s29 =	simm.s32 $0x9;
	_ =	strace $0x80000048  }
0xc0: {  	_ =	swait.ge [sflag:s29], $0x1  }
0xc1: {  	[sflag:s29] =	ssyncadd.s32 $0xFFFFFFFF  }
0xc2: {  	_ =	strace $0x90000048  }
0xc3: {  	_ =	sfence  }
0xc4: {  	s30 =	sld [smem:$0x0];
	_ =	sdelay $0x2  }
0xc5: {  	s31 =	sshll.u32 s1, $0xD;
	s1 =	sshrl.u32 s1, $0x2  }
0xc6: {  	s3 =	sand.u32 $0x4000, s31;
	s1 =	sadd.s32 s1, s30  }
0xc7: {  	s0 =	sor.u32 s3, s0;
	s1 =	sshll.u32 s1, $0x11  }
0xc8: {  	s0 =	sor.u32 s1, s0  }
0xc9: {  	s0 =	sadd.s32 $0x8F2B, s0  }
0xca: {  	[sflag:s0] =	ssyncadd.remote.s32 $0x1  }
0xcb: {  	_ =	sfence.sel $0xFFFF  }
0xcc: {  	[dreg:$0x0] =	wrdreg $0xFFFFFFFF;
	(pc) =	sbr.abs _section_cstart, $3  }
0xcd: {  	[dreg:$0x1] =	wrdreg $0xFFFFFFFF  }
0xce: {  	_ =	task.clear_ibuf [dreg:s10], $0x2FFFF;
	_ =	strace $0x9FFFFFFF  }
0xcf: {  	(tm) =	ssettm $0x7FFFFFFF  }
tec
execute0_lowered:
.L_overlay_start_1:
0x0: {  	(tag) =	ssettag $0x1  }
0x1: {  	s1 =	rddreg [dreg:$0x0]  }
0x2: {  	s0 =	rddreg [dreg:$0x1]  }
0x3: {  	s2 =	rddreg [dreg:$0x4]  }
0x4: {  	s4 =	rddreg [dreg:$0x5]  }
0x5: {  	s5 =	rddreg [dreg:$0x6]  }
0x6: {  	s6 =	rddreg [dreg:$0x7];
	s3 =	simm.s32 $0x0  }
0x7: {  	s22 =	srdreg.scid;
	s16 =	stileid.u32;
	s28 =	simm.s32 $0x80  }
0x8: {  	s29 =	simm.s32 $0x1800;
	s30 =	simm.s32 $0x5800;
	s31 =	simm.s32 $0x1  }
0x9: {  	[smem:$0x7FF] =	sst s3;
	s8 =	sadd.s32 $0xE200, s1;
	s9 =	sadd.s32 $0x18200, s1  }
0xa: {  	s11 =	sadd.s32 $0x4200, s1;
	s7 =	sadd.s32 $0x2C400, s1;
	s10 =	smul.u32 $0x7D000, s16  }
0xb: {  	s3 =	sand.u32 $0x1, s22;
	s23 =	sadd.s32 $0x2C200, s1;
	s15 =	smul.u32 $0x1F400, s16  }
0xc: {  	p0 =	sgt.u32 s16, $0x4;
	_ =	strace $0x80000047;
	[dreg:$0x9] =	wrdreg s7  }
0xd: {  	s14 =	smul.u32 $0x5000, s16;
	[dreg:$0xa] =	wrdreg s23;
	s24 =	sshll.u32 s3, $0x4  }
0xe: {  	s25 =	ssub.s32 $0x2, s3;
	s12 =	smul.u32 $0x9C400, s3;
	p3 =	seq.s32 @p0 s16, $0x6  }
0xf: {  	s23 =	simm.s32 $0x9800;
	s1 =	sadd.s32 s24, s1;
	s13 =	sshrl.u32 s25, $0x1  }
0x10: {  	s10 =	sshrl.u32 s10, $0x2;
	p1 =	por p3, !p0;
	s24 =	simm.s32 $0x3  }
0x11: {  	s7 =	ssub.s32 s25, s13;
	s10 =	sadd.s32 s10, s4;
	s12 =	sadd.s32 s15, s12  }
0x12: {  	s15 =	smul.u32 $0x50000, s3;
	s17 =	sadd.s32 $0x2C800, s1;
	p4 =	sne.s32 @!p1 s16, $0x5  }
0x13: {  	p1 =	por !p3, !p0;
	s1 =	sshll.u32 @!p0 s16, $0x6;
	s25 =	simm.s32 $0x800  }
0x14: {  	s26 =	sshrl.u32 s12, $0x3;
	s18 =	smax.u32 s7, $0x1;
	p2 =	por @p0 p4, p3  }
0x15: {  	s19 =	sshrl.u32 @!p1 s5, $0x3;
	p3 =	por @p0 !p4, p3;
	s21 =	sor.u32 @!p0 $0x1C03, s1  }
0x16: {  	s22 =	sshrl.u32 @!p0 s10, $0x3;
	s1 =	simm.s32 $0x2;
	s2 =	sadd.s32 s2, s26  }
0x17: {  	p2 =	por p2, !p0;
	p3 =	por !p3, !p0;
	s26 =	simm.s32 $0x1000  }
0x18: {  	[dreg:$0xb] =	wrdreg s2;
	s20 =	sshrl.u32 @!p2 s6, $0x3;
	s2 =	simm.s32 $0x0  }
.LBB2_1:
0x19: {  	s3 =	simm.s32 @!p1 $0x1D83;
	s7 =	rddreg [dreg:$0x2]  }
0x1a: {  	[spmem:s19], [sflag:s3] =	dma.local @!p1 [hbm:s7], $0xC80  }
0x1b: {  	s3 =	simm.s32 @!p1 $0x3  }
0x1c: {  	_ =	swait.ge @!p1 [sflag:s3], $0xC80  }
0x1d: {  	[sflag:s3] =	ssyncset.done @!p1 $0x0  }
0x1e: {  	s7 =	rddreg [dreg:$0x9];
	[sflag:s3] =	ssyncadd.s32 @!p1 $0xFFFFF380;
	s3 =	simm.s32 @!p2 $0x1D43  }
0x1f: {  	[spmem:s20], [sflag:s3] =	dma.local @!p2 [hbm:s7], $0x280  }
0x20: {  	s3 =	simm.s32 @!p2 $0x3  }
0x21: {  	_ =	swait.ge @!p2 [sflag:s3], $0x280  }
0x22: {  	[sflag:s3] =	ssyncset.done @!p2 $0x0  }
0x23: {  	[sflag:s3] =	ssyncadd.s32 @!p2 $0xFFFFFD80  }
0x24: {  	s3 =	rddreg [dreg:$0x3]  }
0x25: {  	[spmem:s22], [sflag:s21] =	dma.local @!p0 [hbm:s3], $0x3E80  }
0x26: {  	s3 =	simm.s32 @!p0 $0x3  }
0x27: {  	_ =	swait.ge @!p0 [sflag:s3], $0x3E80  }
0x28: {  	[sflag:s3] =	ssyncset.done @!p0 $0x0  }
0x29: {  	s13 =	simm.s32 $0x0;
	s16 =	rddreg [dreg:$0xa];
	[sflag:s3] =	ssyncadd.s32 @!p0 $0xFFFFC180  }
0x2a: {  	[tilespmem:s23], [sflag:$0x3] =	stream.linear.gather [hbm4b:s16+s13], $0x80, $0x38;
	[tilespmem:$0x13C80] =	vst v63  }
0x2b: {  	p4 =	por @p0 $0x0, $0x0;
	p5 =	por @!p2 $0x1, $0x1;
	_ =	swait.ge [sflag:s24], $0x80  }
0x2c: {  	p6 =	por @!p1 $0x0, $0x0;
	p4 =	por @!p3 p5, p5;
	[sflag:s24] =	ssyncset.done $0x0  }
0x2d: {  	p5 =	por @!p0 $0x0, $0x0;
	p4 =	por @!p1 p6, p6;
	[sflag:s24] =	ssyncadd.s32 $0xFFFFFF80  }
0x2e: {  	p4 =	por @!p0 p5, p5;
	s3 =	simm.s32 $0x0;
	[bflag:$0x0] =	sbarrier.arrive $0xFFFF  }
.LBB2_2:
0x2f: {  	s7 =	sshll.u32 s3, $0xB  }
0x30: {  	s10 =	sadd.s32 s14, s7  }
0x31: {  	s12 =	sshrl.u32 s10, $0x3  }
0x32: {  	s7 =	simm.s32 $0x0;
	s13 =	sadd.s32 s8, s12  }
0x33: {  	[tilespmem:s7], [sflag:$0x3] =	stream.linear.gather [hbm4b:s13+s7], $0x800, $0x38;
	[tilespmem:$0x13C80] =	vst v63  }
0x34: {  	_ =	swait.ge [sflag:s24], $0x800  }
0x35: {  	[sflag:s24] =	ssyncset.done $0x0  }
0x36: {  	s12 =	sadd.s32 s11, s12;
	[sflag:s24] =	ssyncadd.s32 $0xFFFFF800  }
0x37: {  	[tilespmem:s25], [sflag:$0x3] =	stream.linear.gather [hbm4b:s12+s7], $0x800, $0x38;
	[tilespmem:$0x13C80] =	vst v63  }
0x38: {  	s10 =	sadd.s32 s15, s10;
	_ =	swait.ge [sflag:s24], $0x800  }
0x39: {  	s10 =	sshrl.u32 s10, $0x3;
	[sflag:s24] =	ssyncset.done $0x0  }
0x3a: {  	s10 =	sadd.s32 s9, s10;
	[sflag:s24] =	ssyncadd.s32 $0xFFFFF800  }
0x3b: {  	[tilespmem:s26], [sflag:$0x3] =	stream.linear.gather [hbm4b:s10+s7], $0x800, $0x38;
	[tilespmem:$0x13C80] =	vst v63  }
0x3c: {  	_ =	swait.ge [sflag:s24], $0x800  }
0x3d: {  	[sflag:s24] =	ssyncset.done $0x0  }
0x3e: {  	[sflag:s24] =	ssyncadd.s32 $0xFFFFF800  }
.LBB2_3:
0x3f: {  	s10 =	sshll.u32 s7, $0x7  }
0x40: {  	[tilespmem:s29], [sflag:$0x1] =	stream.indirect.gather [hbm4b:s0+s28], $0x80, s10, s28, $0xb8;
	[tilespmem:$0x13C80] =	vst v63  }
0x41: {  	s12 =	sadd.s32 $0x800, s10  }
0x42: {  	[tilespmem:s30], [sflag:$0x2] =	stream.indirect.gather [spmem:s5], $0x80, s12, s28, $0xb8;
	[tilespmem:$0x13C80] =	vst v63  }
0x43: {  	_ =	swait.ge [sflag:s31], $0x4000  }
0x44: {  	[sflag:s31] =	ssyncset.done $0x0  }
0x45: {  	[sflag:s31] =	ssyncadd.s32 $0xFFFFC000  }
0x46: {  	_ =	swait.ge [sflag:s1], $0x4000  }
0x47: {  	[sflag:s1] =	ssyncset.done $0x0  }
0x48: {  	s12 =	simm.s32 $0x0;
	[sflag:s1] =	ssyncadd.s32 $0xFFFFC000  }
0x49: {  	v7 =	vld [tilespmem:s12+$0x5800]  }
0x4a: {  	v11 =	vld [tilespmem:s12+$0x5810]  }
0x4b: {  	v5 =	vld [tilespmem:s12+$0x5820]  }
0x4c: {  	v4 =	vld [tilespmem:s12+$0x5830]  }
0x4d: {  	v3 =	vld [tilespmem:s12+$0x5840]  }
0x4e: {  	v2 =	vld [tilespmem:s12+$0x5850]  }
0x4f: {  	v1 =	vld [tilespmem:s12+$0x5860]  }
0x50: {  	v0 =	vld [tilespmem:s12+$0x5870]  }
0x51: {  	v12 =	vld [tilespmem:s12+$0x1800]  }
0x52: {  	v13 =	vld [tilespmem:s12+$0x1810]  }
0x53: {  	v10 =	vld [tilespmem:s12+$0x1820]  }
0x54: {  	v9 =	vld [tilespmem:s12+$0x1830]  }
0x55: {  	v8 =	vld [tilespmem:s12+$0x1840]  }
0x56: {  	v6 =	vld [tilespmem:s12+$0x1850];
	v12 =	vmul.f32 v7, v12  }
0x57: {  	s13 =	simm.s32 $0x200;
	v11 =	vmul.f32 v11, v13;
	v7 =	vld [tilespmem:s12+$0x1860]  }
.LBB2_4:
0x58: {  	s16 =	sshra.s32 s13, $0x2;
	p5 =	sne.s32 s13, $0xFE00;
	[tilespmem:s12+$0x1800] =	vst v12;
	v5 =	vmul.f32 v5, v10;
	v10 =	vld [tilespmem:s12+$0x1870]  }
0x59: {  	v12 =	vld [tilespmem:s16+$0x5800];
	[tilespmem:s12+$0x1810] =	vst v11;
	v4 =	vmul.f32 v4, v9  }
0x5a: {  	v11 =	vld [tilespmem:s16+$0x5810];
	[tilespmem:s12+$0x1820] =	vst v5;
	v3 =	vmul.f32 v3, v8  }
0x5b: {  	v5 =	vld [tilespmem:s16+$0x5820];
	[tilespmem:s12+$0x1830] =	vst v4;
	v2 =	vmul.f32 v2, v6  }
0x5c: {  	v4 =	vld [tilespmem:s16+$0x5830];
	[tilespmem:s12+$0x1840] =	vst v3;
	v1 =	vmul.f32 v1, v7  }
0x5d: {  	v3 =	vld [tilespmem:s16+$0x5840];
	[tilespmem:s12+$0x1850] =	vst v2;
	v0 =	vmul.f32 v0, v10  }
0x5e: {  	v2 =	vld [tilespmem:s16+$0x5850];
	[tilespmem:s12+$0x1860] =	vst v1  }
0x5f: {  	v1 =	vld [tilespmem:s16+$0x5860];
	[tilespmem:s12+$0x1870] =	vst v0;
	s12 =	smov.u32 s16  }
0x60: {  	v0 =	vld [tilespmem:s12+$0x5870]  }
0x61: {  	v6 =	vld [tilespmem:s12+$0x1800]  }
0x62: {  	v7 =	vld [tilespmem:s12+$0x1810]  }
.Ltmp0:
0x63: {  	v10 =	vld [tilespmem:s12+$0x1820];
	(pc) =	sbr.rel @p5 .LBB2_4-.Ltmp0, $4  }
0x64: {  	v9 =	vld [tilespmem:s12+$0x1830]  }
0x65: {  	v8 =	vld [tilespmem:s12+$0x1840]  }
0x66: {  	v12 =	vmul.f32 v12, v6;
	v6 =	vld [tilespmem:s12+$0x1850]  }
0x67: {  	s13 =	sadd.s32 $0x200, s13;
	v11 =	vmul.f32 v11, v7;
	v7 =	vld [tilespmem:s12+$0x1860]  }
0x68: {  	[tilespmem:s12+$0x1800] =	vst v12;
	v5 =	vmul.f32 v5, v10;
	v63 =	vld [tilespmem:s12+$0x1870]  }
0x69: {  	[tilespmem:s12+$0x1810] =	vst v11;
	v4 =	vmul.f32 v4, v9  }
0x6a: {  	[tilespmem:s12+$0x1820] =	vst v5;
	v3 =	vmul.f32 v3, v8  }
0x6b: {  	[tilespmem:s12+$0x1830] =	vst v4;
	v2 =	vmul.f32 v2, v6  }
0x6c: {  	[tilespmem:s12+$0x1840] =	vst v3;
	v1 =	vmul.f32 v1, v7  }
0x6d: {  	[tilespmem:s12+$0x1850] =	vst v2;
	v0 =	vmul.f32 v0, v63  }
0x6e: {  	[tilespmem:s12+$0x1860] =	vst v1  }
0x6f: {  	s10 =	sadd.s32 $0x1000, s10;
	[tilespmem:s12+$0x1870] =	vst v0  }
0x70: {  	[spmem:s4] =	stream.indirect.scatter.add.f32 [tilespmem:s29], [sflag:$0x3], $0x80, s10, s28, $0xb8;
	[tilespmem:$0x13C80] =	vst v63  }
0x71: {  	s7 =	sadd.s32 $0x1, s7;
	_ =	swait.ge [sflag:s24], $0x4000  }
0x72: {  	p5 =	sne.s32 s7, $0x10;
	[sflag:s24] =	ssyncset.done $0x0  }
.Ltmp1:
0x73: {  	[sflag:s24] =	ssyncadd.s32 $0xFFFFC000;
	(pc) =	sbr.rel @p5 .LBB2_3-.Ltmp1, $4  }
0x74: {  	[spmem:s6] =	stream.indirect.scatter.add.f32 [tilespmem:s23], [sflag:$0x3], $0x1, s10, s28, $0xb8;
	[tilespmem:$0x13C80] =	vst v63  }
0x75: {  	_ =	swait.ge [sflag:s24], $0x80  }
0x76: {  	[sflag:s24] =	ssyncset.done $0x0  }
0x77: {  	[sflag:s24] =	ssyncadd.s32 $0xFFFFFF80  }
0x78: {  	s3 =	sadd.s32 $0x1, s3  }
0x79: {  	p5 =	sne.s32 s3, $0xA  }
.Ltmp2:
0x7a: {  	_ = 	snop;
	(pc) =	sbr.rel @p5 .LBB2_2-.Ltmp2, $1  }
0x7b: {  	_ =	sdelay $0x3  }
0x7c: {  	[bflag:$0x0] =	sbarrier.arrive $0xFFFF  }
0x7d: {  	s7 =	stileid.u32;
	s3 =	rddreg [dreg:$0xb]  }
0x7e: {  	[hbm:s3], [sflag:s21] =	dma.local @!p0 [spmem:s22], $0x3E80  }
0x7f: {  	s10 =	simm.s32 @p4 $0x1;
	s12 =	simm.s32 @p4 $0x20;
	s3 =	simm.s32 @!p0 $0x3  }
0x80: {  	s13 =	simm.s32 @p4 $0x10;
	s2 =	sadd.s32 $0x1, s2;
	_ =	swait.ge @!p0 [sflag:s3], $0x3E80  }
0x81: {  	s7 =	sshll.u32 @p4 s7, $0x6;
	p5 =	sne.s32 s2, s18;
	[sflag:s3] =	ssyncset.done @!p0 $0x0  }
0x82: {  	[sflag:s3] =	ssyncadd.s32 @!p0 $0xFFFFC180;
	s3 =	sor.u32 @p4 $0x1C03, s7;
	s7 =	sshrl.u32 @p4 s6, $0x3  }
0x83: {  	[hbm:s17@s12], [sflag:s3] =	dma.strided @p4 [spmem:s7@s13], $0x280, s10, $0x10   }
.Ltmp3:
0x84: {  	_ = 	snop;
	(pc) =	sbr.rel @p5 .LBB2_1-.Ltmp3, $4  }
0x85: {  	s3 =	simm.s32 @p4 $0x3  }
0x86: {  	_ =	swait.ge @p4 [sflag:s3], $0x280  }
0x87: {  	[sflag:s3] =	ssyncset.done @p4 $0x0  }
0x88: {  	[sflag:s3] =	ssyncadd.s32 @p4 $0xFFFFFD80  }
0x89: {  	_ =	sfence.sel $0x180000  }
0x8a: {  	[bflag:$0x0] =	sbarrier.arrive $0xFFFF  }
0x8b: {  	_ =	strace $0x90000047  }
0x8c: {  	s0 =	stileid.u32;
	[bflag:$0x2] =	sbarrier.arrive $0xFFFF  }
0x8d: {  	p0 =	sne.s32 s0, $0x0;
	s0 =	rddreg [dreg:$0x8]  }
0x8e: {  	s0 =	sadd.s32 @!p0 $0x100000, s0  }
0x8f: {  	[sflag:s0] =	ssyncadd.tile.s32 @!p0 $0x1;
	_ =	shalt  }
.Lfunc_end2:
_tile_overlayer_lowered:
.L_overlay_start_2:
0x90: {  	(tag) =	ssettag $0x2  }
0x91: {  	s0 =	rddreg [dreg:$0x0];
	s2 =	stileid.u32  }
0x92: {  	s1 =	rddreg [dreg:$0x1];
	p0 =	sne.s32 s2, $0x0  }
0x93: {  	s3 =	rddreg [dreg:$0x2];
	[bflag:$0x3] =	sbarrier.arrive $0xFFFF;
	s2 =	simm.s32 @!p0 $0x1C03  }
0x94: {  	[timem:s3], [sflag:s2] =	dma.local @!p0 [hbm:s0], s1  }
0x95: {  	s0 =	simm.s32 @!p0 $0x3  }
0x96: {  	_ =	swait.ge @!p0 [sflag:s0], s1  }
0x97: {  	s1 =	ssub.s32 @!p0 $0x0, s1;
	[sflag:s0] =	ssyncset.done @!p0 $0x0  }
0x98: {  	[sflag:s0] =	ssyncadd.s32 @!p0 s1  }
0x99: {  	[bflag:$0x3] =	sbarrier.arrive $0xFFFF  }
0x9a: {  	_ =	shalt  }

</sc_bundles>
